<compile_context>
chip_gen: v7x
topology: tpu7x:2x2x1
jax: 0.10.2.dev20260603
libtpu: 0.0.44.dev20260713+nightly
codegen_flags: <defaults>
</compile_context>

<pallas_src>
import functools

import jax
import jax.numpy as jnp
from jax import lax
from jax.experimental import pallas as pl
from jax.experimental.pallas import tpu as pltpu
from jax.experimental.pallas import tpu_sc as plsc

T = 4096
D = 2048
E = 64
CAP = 64
ECAP = E * CAP
THR = 0.4
BT = 256
NB = T // BT

NW = 32
TPW = T // NW
GRP = 16
NGRP = TPW // GRP


def _route_kernel(x_ref, wg_ref, meta_ref, acc_ref):
    i = pl.program_id(0)

    @pl.when(i == 0)
    def _():
        acc_ref[...] = jnp.zeros_like(acc_ref)

    xb = x_ref[...]
    logits = jnp.dot(xb, wg_ref[...], preferred_element_type=jnp.float32)
    mx = jnp.max(logits, axis=1, keepdims=True)
    ex = jnp.exp(logits - mx)
    gates = ex / jnp.sum(ex, axis=1, keepdims=True)

    iota_e = jax.lax.broadcasted_iota(jnp.int32, (BT, E), 1).astype(jnp.float32)
    g0 = jnp.max(gates, axis=1, keepdims=True)
    e0 = jnp.min(jnp.where(gates == g0, iota_e, jnp.float32(E)),
                 axis=1, keepdims=True)
    oh0 = (iota_e == e0).astype(jnp.float32)

    gates1 = jnp.where(iota_e == e0, -jnp.inf, gates)
    g1 = jnp.max(gates1, axis=1, keepdims=True)
    e1 = jnp.min(jnp.where(gates1 == g1, iota_e, jnp.float32(E)),
                 axis=1, keepdims=True)
    flag1 = g0 < THR
    oh1 = ((iota_e == e1) & flag1).astype(jnp.float32)

    rr = jax.lax.broadcasted_iota(jnp.int32, (BT, BT), 0)
    cc = jax.lax.broadcasted_iota(jnp.int32, (BT, BT), 1)
    tril = (rr > cc).astype(jnp.float32)
    pb0 = jnp.dot(tril, oh0, preferred_element_type=jnp.float32)
    pb1 = jnp.dot(tril, oh1, preferred_element_type=jnp.float32)

    cnt0 = acc_ref[0:1, :]
    cnt1 = acc_ref[1:2, :]
    pos0 = jnp.sum((pb0 + cnt0) * oh0, axis=1, keepdims=True)
    c1v = jnp.sum((pb1 + cnt1) * oh1, axis=1, keepdims=True)
    c1 = jnp.where(flag1, c1v, jnp.float32(1e6))

    acc_ref[0:1, :] = cnt0 + jnp.sum(oh0, axis=0, keepdims=True)
    acc_ref[1:2, :] = cnt1 + jnp.sum(oh1, axis=0, keepdims=True)
    acc_ref[2:3, :] = acc_ref[2:3, :] + jnp.sum(gates, axis=0, keepdims=True)

    meta_ref[0] = jnp.concatenate(
        [e0, e1, g0, g1, pos0, c1, jnp.zeros((BT, 2), jnp.float32)], axis=1)

    @pl.when(i == NB - 1)
    def _():
        laux = jnp.sum(acc_ref[0:1, :] * acc_ref[2:3, :]) * (E / (T * T))
        acc_ref[3:4, :] = jnp.full((1, E), laux, jnp.float32)


def _mask_kernel(meta_ref, acc_ref, dm_ref):
    meta = meta_ref[0]
    e0 = meta[:, 0:1]
    e1 = meta[:, 1:2]
    pos0 = meta[:, 4:5]
    c1 = meta[:, 5:6]
    g0 = meta[:, 2:3]
    g1 = meta[:, 3:4]
    cnt0 = acc_ref[0:1, :]

    iota_e = jax.lax.broadcasted_iota(jnp.int32, (BT, E), 1).astype(jnp.float32)
    ohe1 = (iota_e == e1).astype(jnp.float32)
    pos1 = c1 + jnp.sum(cnt0 * ohe1, axis=1, keepdims=True)

    q0 = jnp.where((pos0 < CAP) & (g0 != 0.0),
                   e0 * CAP + pos0, jnp.float32(-1.0))
    q1 = jnp.where((pos1 < CAP) & (g1 != 0.0),
                   e1 * CAP + pos1, jnp.float32(-1.0))

    qi = jax.lax.broadcasted_iota(jnp.int32, (BT, ECAP), 1).astype(jnp.float32)
    dm_ref[...] = ((qi == q0) | (qi == q1)).astype(jnp.int8)


def _sc_cw_body(meta_hbm, acc_hbm, out_hbm, meta_v, cnt0_v, rows_v):
    c = lax.axis_index("c")
    s = lax.axis_index("s")
    w = s * 2 + c

    blk = w // 2
    off = (w % 2) * TPW
    pltpu.sync_copy(meta_hbm.at[blk, pl.ds(off, TPW), :], meta_v)
    pltpu.sync_copy(acc_hbm.at[0], cnt0_v)

    for r in range(GRP):
        def _zrow(k, _, r=r):
            b = k * 64
            z = jnp.zeros((16,), jnp.float32)
            rows_v[r, pl.ds(b, 16)] = z
            rows_v[r, pl.ds(b + 16, 16)] = z
            rows_v[r, pl.ds(b + 32, 16)] = z
            rows_v[r, pl.ds(b + 48, 16)] = z
            return 0
        lax.fori_loop(0, ECAP // 64, _zrow, 0)

    zeros16 = jnp.zeros((16,), jnp.float32)
    rid = lax.iota(jnp.int32, 16)

    for g in range(NGRP):
        tids = rid + g * GRP
        f0 = jnp.full((16,), 0, jnp.int32)
        e0 = plsc.load_gather(meta_v, [tids, f0])
        e1 = plsc.load_gather(meta_v, [tids, f0 + 1])
        g0 = plsc.load_gather(meta_v, [tids, f0 + 2])
        g1 = plsc.load_gather(meta_v, [tids, f0 + 3])
        pos0 = plsc.load_gather(meta_v, [tids, f0 + 4])
        c1 = plsc.load_gather(meta_v, [tids, f0 + 5])

        cnt_e1 = plsc.load_gather(cnt0_v, [e1.astype(jnp.int32)])
        pos1 = c1 + cnt_e1
        m0 = pos0 < CAP
        m1 = pos1 < CAP
        q0 = (e0 * CAP + pos0).astype(jnp.int32)
        q1 = (e1 * CAP + pos1).astype(jnp.int32)
        q0 = jnp.where(m0, q0, 0)
        q1 = jnp.where(m1, q1, 0)

        plsc.store_scatter(rows_v, [rid, q0], g0, mask=m0)
        plsc.store_scatter(rows_v, [rid, q1], g1, mask=m1)
        pltpu.sync_copy(
            rows_v,
            out_hbm.at[pl.ds(w * TPW + g * GRP, GRP), :])
        plsc.store_scatter(rows_v, [rid, q0], zeros16, mask=m0)
        plsc.store_scatter(rows_v, [rid, q1], zeros16, mask=m1)


_sc_cw = functools.partial(
    pl.kernel,
    out_type=jax.ShapeDtypeStruct((T, ECAP), jnp.float32),
    mesh=plsc.VectorSubcoreMesh(core_axis_name="c", subcore_axis_name="s"),
    scratch_types=[
        pltpu.VMEM((TPW, 8), jnp.float32),
        pltpu.VMEM((E,), jnp.float32),
        pltpu.VMEM((GRP, ECAP), jnp.float32),
    ],
    compiler_params=pltpu.CompilerParams(needs_layout_passes=False),
)(_sc_cw_body)


def kernel(x, wg):
    meta, acc = pl.pallas_call(
        _route_kernel,
        grid=(NB,),
        in_specs=[
            pl.BlockSpec((BT, D), lambda i: (i, 0)),
            pl.BlockSpec((D, E), lambda i: (0, 0)),
        ],
        out_shape=[
            jax.ShapeDtypeStruct((NB, BT, 8), jnp.float32),
            jax.ShapeDtypeStruct((8, E), jnp.float32),
        ],
        out_specs=[
            pl.BlockSpec((1, BT, 8), lambda i: (i, 0, 0)),
            pl.BlockSpec((8, E), lambda i: (0, 0)),
        ],
        compiler_params=pltpu.CompilerParams(
            dimension_semantics=("arbitrary",)),
        interpret=False,
    )(x, wg)

    cw = _sc_cw(meta, acc)

    dm = pl.pallas_call(
        _mask_kernel,
        grid=(NB,),
        in_specs=[
            pl.BlockSpec((1, BT, 8), lambda i: (i, 0, 0)),
            pl.BlockSpec((8, E), lambda i: (0, 0)),
        ],
        out_shape=jax.ShapeDtypeStruct((T, ECAP), jnp.int8),
        out_specs=pl.BlockSpec((BT, ECAP), lambda i: (i, 0)),
        compiler_params=pltpu.CompilerParams(
            dimension_semantics=("arbitrary",)),
        interpret=False,
    )(meta, acc)

    l_aux = acc[3, 0]
    exp_counts = acc[0].astype(jnp.int32)
    return (l_aux, cw.reshape(T, E, CAP),
            dm.reshape(T, E, CAP).astype(jnp.bool_), exp_counts)

# --- scband reference (transcript-rebuilt; emitter-appended) ---
"""Pipeline reference for scband-top-kgate-89043261980984 (READ-ONLY COPY).

The authoritative reference and input builder live on the scoring server;
editing this copy changes nothing except your own understanding.
"""

import jax, jax.numpy as jnp
import numpy as np

MODEL_DIM = 2048
NUM_EXPERTS = 64
K = 2
CAP_FACTOR = 1.0
MIN_CAPACITY = 4
THRESHOLD = 0.4
NUM_TOKENS = 4096


def setup_inputs(seed: int = 0) -> dict:
    key = jax.random.key(seed)
    k1, k2 = jax.random.split(key)
    x = jax.random.normal(k1, (NUM_TOKENS, MODEL_DIM), dtype=jnp.float32)
    wg = jax.random.normal(k2, (MODEL_DIM, NUM_EXPERTS), dtype=jnp.float32) * 0.02
    return {"x": x, "wg": wg}


def _stop_index(logits):
    # mirrors: stop_index = min(int(2*capacity_factor), #nonzero rows of chosen_indices)
    gates = jax.nn.softmax(logits, axis=1)
    top_k_num = max(min(int(2 * K), NUM_EXPERTS), 1)
    gates_sorted, gates_indices = jax.lax.top_k(gates, top_k_num)
    cum = jnp.cumsum(gates_sorted, axis=-1)
    chosen_flag = (cum - gates_sorted) < THRESHOLD
    chosen_flag = chosen_flag.at[:, 0].set(True)
    whole = chosen_flag.astype(jnp.int32) * (gates_indices + 1)
    si = jnp.sum(jnp.sum(whole.T, axis=-1) != 0)
    return jnp.clip(si, 1, int(2 * CAP_FACTOR))


def _gating(logits, stop_index):
    num_tokens, num_experts = logits.shape
    gates = jax.nn.softmax(logits, axis=1)
    top1_p = jnp.max(gates, axis=1)
    capacity = int(np.ceil(num_tokens / num_experts * CAP_FACTOR))
    capacity = max(capacity, MIN_CAPACITY)
    indices1_s = jnp.argmax(gates, axis=1)
    mask1 = jax.nn.one_hot(indices1_s, num_experts, dtype=jnp.int32)
    exp_counts = jnp.sum(mask1, axis=0)
    top_k_num = max(min(int(2 * K), num_experts), 1)
    gates_sorted, gates_indices = jax.lax.top_k(gates, top_k_num)
    cum_sorted = jnp.cumsum(gates_sorted, axis=-1)
    chosen_flag = (cum_sorted - gates_sorted) < THRESHOLD
    chosen_flag = chosen_flag.at[:, 0].set(True)
    whole_chosen = chosen_flag.astype(jnp.int32) * (gates_indices + 1)
    stop_max = max(min(int(2 * CAP_FACTOR), top_k_num), 1)
    chosen_indices = whole_chosen.T[:stop_max]  # [stop_max, tokens]
    row_mask = (jnp.arange(stop_max) < stop_index)[:, None]
    chosen_indices = jnp.where(row_mask, chosen_indices, 0)
    tam = jax.nn.one_hot(chosen_indices, num_experts + 1, dtype=jnp.int32)[:, :, 1:]
    token_num = num_tokens
    tam2 = tam.reshape(-1, num_experts)
    # capacity top-k per expert column (scatter-overwrite keep-mask)
    top_idx = jax.lax.top_k(tam2.T, capacity)[1].T  # [capacity, E]
    keep = jnp.zeros_like(tam2).at[top_idx, jnp.arange(num_experts)[None, :]].set(1)
    tam2 = tam2 * keep
    locs = jnp.cumsum(tam2, axis=0).reshape(-1, token_num, num_experts) - 1
    tam3 = tam2.reshape(-1, token_num, num_experts)
    expert_received = locs[-1, -1, :] + 1
    expert_not_full_ratio = jnp.sum(expert_received < capacity) / num_experts
    locs = locs * tam3
    me = jnp.mean(gates, axis=0)
    ce = jnp.mean(mask1.astype(jnp.float32), axis=0)
    l_aux = jnp.sum(me * ce) * num_experts
    mask_sum = tam3.sum(axis=0)  # [tokens, E]
    locs_sum = locs.sum(axis=0)  # [tokens, E]
    gates_masked = gates * mask_sum.astype(jnp.float32)
    locs_sc = jax.nn.one_hot(locs_sum, capacity, dtype=jnp.float32)
    combine_weights = locs_sc * gates_masked[:, :, None]
    dispatch_mask = combine_weights.astype(bool)
    return l_aux, combine_weights, dispatch_mask, exp_counts, top1_p, expert_not_full_ratio


def reference(x, wg):
    logits = x @ wg
    si = _stop_index(logits)
    l_aux, combine_weights, dispatch_mask, exp_counts, top1_p, enfr = _gating(logits, si)
    return (l_aux, combine_weights, dispatch_mask, exp_counts)

if __name__ == "__main__":
    import jax
    _d = setup_inputs()
    print(jax.jit(kernel)(*tuple(_d.values())))

</pallas_src>

<mosaic_0001>
#map = affine_map<(d0, d1) -> (0, 0, 0)>
#map1 = affine_map<(d0, d1) -> (0, 0)>
module attributes {stable_mosaic.version = 14 : i64} {
  func.func @_sc_cw_body(%arg0: i32, %arg1: i32, %arg2: memref<16x256x8xf32, #tpu.memory_space<hbm>>, %arg3: memref<8x64xf32, #tpu.memory_space<hbm>>, %arg4: memref<4096x4096xf32, #tpu.memory_space<hbm>>, %arg5: memref<128x8xf32, #tpu.memory_space<vmem>>, %arg6: memref<64xf32, #tpu.memory_space<vmem>>, %arg7: memref<16x4096xf32, #tpu.memory_space<vmem>>) attributes {dimension_semantics = [#tpu.dimension_semantics<core_parallel>, #tpu.dimension_semantics<subcore_parallel>], iteration_bounds = array<i64: 2, 16>, scalar_prefetch = 0 : i64, scratch_operands = 3 : i64, tpu.core_type = #tpu.core_type<sc_vector_subcore>, window_params = [{transform_indices = #map}, {transform_indices = #map1}, {transform_indices = #map1}]} {
    %mul3A = arith.constant 2 : i32
    %mul3A_0 = arith.muli %arg1, %mul3A : i32
    %add3A = arith.addi %mul3A_0, %arg0 : i32
    %jit3A = arith.constant 2 : i32
    %div3A = arith.divsi %add3A, %jit3A : i32
    %sign3A = arith.constant 0 : i32
    %sign3A_1 = arith.cmpi sgt, %add3A, %sign3A : i32
    %sign3A_2 = arith.extui %sign3A_1 : i1 to i32
    %sign3A_3 = arith.constant 0 : i32
    %sign3A_4 = arith.cmpi slt, %add3A, %sign3A_3 : i32
    %sign3A_5 = arith.extui %sign3A_4 : i1 to i32
    %sign3A_6 = arith.subi %sign3A_2, %sign3A_5 : i32
    %sign3A_7 = arith.constant 0 : i32
    %sign3A_8 = arith.cmpi sgt, %jit3A, %sign3A_7 : i32
    %sign3A_9 = arith.extui %sign3A_8 : i1 to i32
    %sign3A_10 = arith.constant 0 : i32
    %sign3A_11 = arith.cmpi slt, %jit3A, %sign3A_10 : i32
    %sign3A_12 = arith.extui %sign3A_11 : i1 to i32
    %sign3A_13 = arith.subi %sign3A_9, %sign3A_12 : i32
    %ne3A = arith.cmpi ne, %sign3A_6, %sign3A_13 : i32
    %rem3A = arith.remsi %add3A, %jit3A : i32
    %ne3A_14 = arith.constant 0 : i32
    %ne3A_15 = arith.cmpi ne, %rem3A, %ne3A_14 : i32
    %and3A = arith.andi %ne3A, %ne3A_15 : i1
    %sub3A = arith.constant 1 : i32
    %sub3A_16 = arith.subi %div3A, %sub3A : i32
    %select_n3A = arith.select %and3A, %sub3A_16, %div3A : i32
    %jit3A_17 = arith.constant 2 : i32
    %eq3A = arith.constant 0 : i32
    %eq3A_18 = arith.cmpi eq, %jit3A_17, %eq3A : i32
    %jit3A_19 = arith.constant 1 : i32
    %select_n3A_20 = arith.select %eq3A_18, %jit3A_19, %jit3A_17 : i32
    %rem3A_21 = arith.remsi %add3A, %select_n3A_20 : i32
    %ne3A_22 = arith.constant 0 : i32
    %ne3A_23 = arith.cmpi ne, %rem3A_21, %ne3A_22 : i32
    %lt3A = arith.constant 0 : i32
    %lt3A_24 = arith.cmpi slt, %rem3A_21, %lt3A : i32
    %lt3A_25 = arith.constant 0 : i32
    %lt3A_26 = arith.cmpi slt, %select_n3A_20, %lt3A_25 : i32
    %ne3A_27 = arith.xori %lt3A_24, %lt3A_26 : i1
    %and3A_28 = arith.andi %ne3A_27, %ne3A_23 : i1
    %add3A_29 = arith.addi %rem3A_21, %select_n3A_20 : i32
    %select_n3A_30 = arith.select %and3A_28, %add3A_29, %rem3A_21 : i32
    %mul3A_31 = arith.constant 128 : i32
    %mul3A_32 = arith.muli %select_n3A_30, %mul3A_31 : i32
    "tpu.region"() ({
      %run_scoped3A_583 = tpu.sem_alloc : memref<!tpu.dma_semaphore, #tpu.memory_space<semaphore_mem>>
      %dma_start3A = arith.constant 0 : i32
      %dma_start3A_584 = tpu.memref_slice %arg2[%select_n3A, %mul3A_32, %dma_start3A] : memref<16x256x8xf32, #tpu.memory_space<hbm>> -> memref<1x128x8xf32, #tpu.memory_space<hbm>>
      %dma_start3A_585 = tpu.memref_squeeze %dma_start3A_584 : memref<1x128x8xf32, #tpu.memory_space<hbm>> -> memref<128x8xf32, #tpu.memory_space<hbm>>
      %dma_start3A_586 = arith.constant 0 : i32
      %dma_start3A_587 = tpu.memref_slice %arg2[%select_n3A, %mul3A_32, %dma_start3A_586] : memref<16x256x8xf32, #tpu.memory_space<hbm>> -> memref<1x128x8xf32, #tpu.memory_space<hbm>>
      %dma_start3A_588 = tpu.memref_squeeze %dma_start3A_587 : memref<1x128x8xf32, #tpu.memory_space<hbm>> -> memref<128x8xf32, #tpu.memory_space<hbm>>
      tpu.enqueue_dma source(%dma_start3A_588 : memref<128x8xf32, #tpu.memory_space<hbm>>) target(%arg5 : memref<128x8xf32, #tpu.memory_space<vmem>>) target_semaphore(%run_scoped3A_583 : memref<!tpu.dma_semaphore, #tpu.memory_space<semaphore_mem>>)
      %dma_wait3A = arith.constant 0 : i32
      %dma_wait3A_589 = tpu.memref_slice %arg2[%select_n3A, %mul3A_32, %dma_wait3A] : memref<16x256x8xf32, #tpu.memory_space<hbm>> -> memref<1x128x8xf32, #tpu.memory_space<hbm>>
      %dma_wait3A_590 = tpu.memref_squeeze %dma_wait3A_589 : memref<1x128x8xf32, #tpu.memory_space<hbm>> -> memref<128x8xf32, #tpu.memory_space<hbm>>
      %dma_wait3A_591 = arith.constant 0 : i32
      %dma_wait3A_592 = tpu.memref_slice %arg2[%select_n3A, %mul3A_32, %dma_wait3A_591] : memref<16x256x8xf32, #tpu.memory_space<hbm>> -> memref<1x128x8xf32, #tpu.memory_space<hbm>>
      %dma_wait3A_593 = tpu.memref_squeeze %dma_wait3A_592 : memref<1x128x8xf32, #tpu.memory_space<hbm>> -> memref<128x8xf32, #tpu.memory_space<hbm>>
      tpu.wait_dma2 semaphore(%run_scoped3A_583 : memref<!tpu.dma_semaphore, #tpu.memory_space<semaphore_mem>>) src(%dma_wait3A_593 : memref<128x8xf32, #tpu.memory_space<hbm>>) dst(%arg5 : memref<128x8xf32, #tpu.memory_space<vmem>>)
      tpu.yield
    }) : () -> ()
    %run_scoped3A = arith.constant 0 : i32
    "tpu.region"() ({
      %run_scoped3A_583 = tpu.sem_alloc : memref<!tpu.dma_semaphore, #tpu.memory_space<semaphore_mem>>
      %dma_start3A = arith.constant 0 : i32
      %dma_start3A_584 = tpu.memref_slice %arg3[%run_scoped3A, %dma_start3A] : memref<8x64xf32, #tpu.memory_space<hbm>> -> memref<1x64xf32, #tpu.memory_space<hbm>>
      %dma_start3A_585 = tpu.memref_squeeze %dma_start3A_584 : memref<1x64xf32, #tpu.memory_space<hbm>> -> memref<64xf32, #tpu.memory_space<hbm>>
      %dma_start3A_586 = arith.constant 0 : i32
      %dma_start3A_587 = tpu.memref_slice %arg3[%run_scoped3A, %dma_start3A_586] : memref<8x64xf32, #tpu.memory_space<hbm>> -> memref<1x64xf32, #tpu.memory_space<hbm>>
      %dma_start3A_588 = tpu.memref_squeeze %dma_start3A_587 : memref<1x64xf32, #tpu.memory_space<hbm>> -> memref<64xf32, #tpu.memory_space<hbm>>
      tpu.enqueue_dma source(%dma_start3A_588 : memref<64xf32, #tpu.memory_space<hbm>>) target(%arg6 : memref<64xf32, #tpu.memory_space<vmem>>) target_semaphore(%run_scoped3A_583 : memref<!tpu.dma_semaphore, #tpu.memory_space<semaphore_mem>>)
      %dma_wait3A = arith.constant 0 : i32
      %dma_wait3A_589 = tpu.memref_slice %arg3[%run_scoped3A, %dma_wait3A] : memref<8x64xf32, #tpu.memory_space<hbm>> -> memref<1x64xf32, #tpu.memory_space<hbm>>
      %dma_wait3A_590 = tpu.memref_squeeze %dma_wait3A_589 : memref<1x64xf32, #tpu.memory_space<hbm>> -> memref<64xf32, #tpu.memory_space<hbm>>
      %dma_wait3A_591 = arith.constant 0 : i32
      %dma_wait3A_592 = tpu.memref_slice %arg3[%run_scoped3A, %dma_wait3A_591] : memref<8x64xf32, #tpu.memory_space<hbm>> -> memref<1x64xf32, #tpu.memory_space<hbm>>
      %dma_wait3A_593 = tpu.memref_squeeze %dma_wait3A_592 : memref<1x64xf32, #tpu.memory_space<hbm>> -> memref<64xf32, #tpu.memory_space<hbm>>
      tpu.wait_dma2 semaphore(%run_scoped3A_583 : memref<!tpu.dma_semaphore, #tpu.memory_space<semaphore_mem>>) src(%dma_wait3A_593 : memref<64xf32, #tpu.memory_space<hbm>>) dst(%arg6 : memref<64xf32, #tpu.memory_space<vmem>>)
      tpu.yield
    }) : () -> ()
    %scan3A = arith.constant 0 : i32
    %scan3A_33 = arith.constant 0 : i32
    %scan3A_34 = arith.constant 64 : i32
    %scan3A_35 = arith.addi %scan3A_33, %scan3A_34 : i32
    %scan3A_36 = arith.constant 1 : i32
    %scan3A_37 = scf.for %scan3A_583 = %scan3A_33 to %scan3A_35 step %scan3A_36 iter_args(%scan3A_584 = %scan3A) -> (i32)  : i32 {
      %mul3A_585 = arith.constant 64 : i32
      %mul3A_586 = arith.muli %scan3A_583, %mul3A_585 : i32
      %broadcast_in_dim3A_587 = arith.constant 0.000000e+00 : f32
      %broadcast_in_dim3A_588 = vector.broadcast %broadcast_in_dim3A_587 : f32 to vector<16xf32>
      %swap3A = arith.constant 0 : i32
      %swap3A_589 = arith.index_cast %swap3A : i32 to index
      %swap3A_590 = arith.index_cast %mul3A_586 : i32 to index
      %swap3A_591 = tpu.vector_load %arg7[%swap3A_589, %swap3A_590] {strides = array<i32>} : memref<16x4096xf32, #tpu.memory_space<vmem>>, vector<16xf32>,
      tpu.vector_store %arg7[%swap3A_589, %swap3A_590], %broadcast_in_dim3A_588 {strides = array<i32>} : memref<16x4096xf32, #tpu.memory_space<vmem>>, vector<16xf32>,
      %add3A_592 = arith.constant 16 : i32
      %add3A_593 = arith.addi %mul3A_586, %add3A_592 : i32
      %swap3A_594 = arith.constant 0 : i32
      %swap3A_595 = arith.index_cast %swap3A_594 : i32 to index
      %swap3A_596 = arith.index_cast %add3A_593 : i32 to index
      %swap3A_597 = tpu.vector_load %arg7[%swap3A_595, %swap3A_596] {strides = array<i32>} : memref<16x4096xf32, #tpu.memory_space<vmem>>, vector<16xf32>,
      tpu.vector_store %arg7[%swap3A_595, %swap3A_596], %broadcast_in_dim3A_588 {strides = array<i32>} : memref<16x4096xf32, #tpu.memory_space<vmem>>, vector<16xf32>,
      %add3A_598 = arith.constant 32 : i32
      %add3A_599 = arith.addi %mul3A_586, %add3A_598 : i32
      %swap3A_600 = arith.constant 0 : i32
      %swap3A_601 = arith.index_cast %swap3A_600 : i32 to index
      %swap3A_602 = arith.index_cast %add3A_599 : i32 to index
      %swap3A_603 = tpu.vector_load %arg7[%swap3A_601, %swap3A_602] {strides = array<i32>} : memref<16x4096xf32, #tpu.memory_space<vmem>>, vector<16xf32>,
      tpu.vector_store %arg7[%swap3A_601, %swap3A_602], %broadcast_in_dim3A_588 {strides = array<i32>} : memref<16x4096xf32, #tpu.memory_space<vmem>>, vector<16xf32>,
      %add3A_604 = arith.constant 48 : i32
      %add3A_605 = arith.addi %mul3A_586, %add3A_604 : i32
      %swap3A_606 = arith.constant 0 : i32
      %swap3A_607 = arith.index_cast %swap3A_606 : i32 to index
      %swap3A_608 = arith.index_cast %add3A_605 : i32 to index
      %swap3A_609 = tpu.vector_load %arg7[%swap3A_607, %swap3A_608] {strides = array<i32>} : memref<16x4096xf32, #tpu.memory_space<vmem>>, vector<16xf32>,
      tpu.vector_store %arg7[%swap3A_607, %swap3A_608], %broadcast_in_dim3A_588 {strides = array<i32>} : memref<16x4096xf32, #tpu.memory_space<vmem>>, vector<16xf32>,
      %scan3A_610 = arith.constant 0 : i32
      scf.yield %scan3A_610 : i32
    }
    %scan3A_38 = arith.constant 64 : i32
    %scan3A_39 = arith.constant 0 : i32
    %scan3A_40 = arith.constant 0 : i32
    %scan3A_41 = arith.constant 64 : i32
    %scan3A_42 = arith.addi %scan3A_40, %scan3A_41 : i32
    %scan3A_43 = arith.constant 1 : i32
    %scan3A_44 = scf.for %scan3A_583 = %scan3A_40 to %scan3A_42 step %scan3A_43 iter_args(%scan3A_584 = %scan3A_39) -> (i32)  : i32 {
      %mul3A_585 = arith.constant 64 : i32
      %mul3A_586 = arith.muli %scan3A_583, %mul3A_585 : i32
      %broadcast_in_dim3A_587 = arith.constant 0.000000e+00 : f32
      %broadcast_in_dim3A_588 = vector.broadcast %broadcast_in_dim3A_587 : f32 to vector<16xf32>
      %swap3A = arith.constant 1 : i32
      %swap3A_589 = arith.index_cast %swap3A : i32 to index
      %swap3A_590 = arith.index_cast %mul3A_586 : i32 to index
      %swap3A_591 = tpu.vector_load %arg7[%swap3A_589, %swap3A_590] {strides = array<i32>} : memref<16x4096xf32, #tpu.memory_space<vmem>>, vector<16xf32>,
      tpu.vector_store %arg7[%swap3A_589, %swap3A_590], %broadcast_in_dim3A_588 {strides = array<i32>} : memref<16x4096xf32, #tpu.memory_space<vmem>>, vector<16xf32>,
      %add3A_592 = arith.constant 16 : i32
      %add3A_593 = arith.addi %mul3A_586, %add3A_592 : i32
      %swap3A_594 = arith.constant 1 : i32
      %swap3A_595 = arith.index_cast %swap3A_594 : i32 to index
      %swap3A_596 = arith.index_cast %add3A_593 : i32 to index
      %swap3A_597 = tpu.vector_load %arg7[%swap3A_595, %swap3A_596] {strides = array<i32>} : memref<16x4096xf32, #tpu.memory_space<vmem>>, vector<16xf32>,
      tpu.vector_store %arg7[%swap3A_595, %swap3A_596], %broadcast_in_dim3A_588 {strides = array<i32>} : memref<16x4096xf32, #tpu.memory_space<vmem>>, vector<16xf32>,
      %add3A_598 = arith.constant 32 : i32
      %add3A_599 = arith.addi %mul3A_586, %add3A_598 : i32
      %swap3A_600 = arith.constant 1 : i32
      %swap3A_601 = arith.index_cast %swap3A_600 : i32 to index
      %swap3A_602 = arith.index_cast %add3A_599 : i32 to index
      %swap3A_603 = tpu.vector_load %arg7[%swap3A_601, %swap3A_602] {strides = array<i32>} : memref<16x4096xf32, #tpu.memory_space<vmem>>, vector<16xf32>,
      tpu.vector_store %arg7[%swap3A_601, %swap3A_602], %broadcast_in_dim3A_588 {strides = array<i32>} : memref<16x4096xf32, #tpu.memory_space<vmem>>, vector<16xf32>,
      %add3A_604 = arith.constant 48 : i32
      %add3A_605 = arith.addi %mul3A_586, %add3A_604 : i32
      %swap3A_606 = arith.constant 1 : i32
      %swap3A_607 = arith.index_cast %swap3A_606 : i32 to index
      %swap3A_608 = arith.index_cast %add3A_605 : i32 to index
      %swap3A_609 = tpu.vector_load %arg7[%swap3A_607, %swap3A_608] {strides = array<i32>} : memref<16x4096xf32, #tpu.memory_space<vmem>>, vector<16xf32>,
      tpu.vector_store %arg7[%swap3A_607, %swap3A_608], %broadcast_in_dim3A_588 {strides = array<i32>} : memref<16x4096xf32, #tpu.memory_space<vmem>>, vector<16xf32>,
      %scan3A_610 = arith.constant 0 : i32
      scf.yield %scan3A_610 : i32
    }
    %scan3A_45 = arith.constant 64 : i32
    %scan3A_46 = arith.constant 0 : i32
    %scan3A_47 = arith.constant 0 : i32
    %scan3A_48 = arith.constant 64 : i32
    %scan3A_49 = arith.addi %scan3A_47, %scan3A_48 : i32
    %scan3A_50 = arith.constant 1 : i32
    %scan3A_51 = scf.for %scan3A_583 = %scan3A_47 to %scan3A_49 step %scan3A_50 iter_args(%scan3A_584 = %scan3A_46) -> (i32)  : i32 {
      %mul3A_585 = arith.constant 64 : i32
      %mul3A_586 = arith.muli %scan3A_583, %mul3A_585 : i32
      %broadcast_in_dim3A_587 = arith.constant 0.000000e+00 : f32
      %broadcast_in_dim3A_588 = vector.broadcast %broadcast_in_dim3A_587 : f32 to vector<16xf32>
      %swap3A = arith.constant 2 : i32
      %swap3A_589 = arith.index_cast %swap3A : i32 to index
      %swap3A_590 = arith.index_cast %mul3A_586 : i32 to index
      %swap3A_591 = tpu.vector_load %arg7[%swap3A_589, %swap3A_590] {strides = array<i32>} : memref<16x4096xf32, #tpu.memory_space<vmem>>, vector<16xf32>,
      tpu.vector_store %arg7[%swap3A_589, %swap3A_590], %broadcast_in_dim3A_588 {strides = array<i32>} : memref<16x4096xf32, #tpu.memory_space<vmem>>, vector<16xf32>,
      %add3A_592 = arith.constant 16 : i32
      %add3A_593 = arith.addi %mul3A_586, %add3A_592 : i32
      %swap3A_594 = arith.constant 2 : i32
      %swap3A_595 = arith.index_cast %swap3A_594 : i32 to index
      %swap3A_596 = arith.index_cast %add3A_593 : i32 to index
      %swap3A_597 = tpu.vector_load %arg7[%swap3A_595, %swap3A_596] {strides = array<i32>} : memref<16x4096xf32, #tpu.memory_space<vmem>>, vector<16xf32>,
      tpu.vector_store %arg7[%swap3A_595, %swap3A_596], %broadcast_in_dim3A_588 {strides = array<i32>} : memref<16x4096xf32, #tpu.memory_space<vmem>>, vector<16xf32>,
      %add3A_598 = arith.constant 32 : i32
      %add3A_599 = arith.addi %mul3A_586, %add3A_598 : i32
      %swap3A_600 = arith.constant 2 : i32
      %swap3A_601 = arith.index_cast %swap3A_600 : i32 to index
      %swap3A_602 = arith.index_cast %add3A_599 : i32 to index
      %swap3A_603 = tpu.vector_load %arg7[%swap3A_601, %swap3A_602] {strides = array<i32>} : memref<16x4096xf32, #tpu.memory_space<vmem>>, vector<16xf32>,
      tpu.vector_store %arg7[%swap3A_601, %swap3A_602], %broadcast_in_dim3A_588 {strides = array<i32>} : memref<16x4096xf32, #tpu.memory_space<vmem>>, vector<16xf32>,
      %add3A_604 = arith.constant 48 : i32
      %add3A_605 = arith.addi %mul3A_586, %add3A_604 : i32
      %swap3A_606 = arith.constant 2 : i32
      %swap3A_607 = arith.index_cast %swap3A_606 : i32 to index
      %swap3A_608 = arith.index_cast %add3A_605 : i32 to index
      %swap3A_609 = tpu.vector_load %arg7[%swap3A_607, %swap3A_608] {strides = array<i32>} : memref<16x4096xf32, #tpu.memory_space<vmem>>, vector<16xf32>,
      tpu.vector_store %arg7[%swap3A_607, %swap3A_608], %broadcast_in_dim3A_588 {strides = array<i32>} : memref<16x4096xf32, #tpu.memory_space<vmem>>, vector<16xf32>,
      %scan3A_610 = arith.constant 0 : i32
      scf.yield %scan3A_610 : i32
    }
    %scan3A_52 = arith.constant 64 : i32
    %scan3A_53 = arith.constant 0 : i32
    %scan3A_54 = arith.constant 0 : i32
    %scan3A_55 = arith.constant 64 : i32
    %scan3A_56 = arith.addi %scan3A_54, %scan3A_55 : i32
    %scan3A_57 = arith.constant 1 : i32
    %scan3A_58 = scf.for %scan3A_583 = %scan3A_54 to %scan3A_56 step %scan3A_57 iter_args(%scan3A_584 = %scan3A_53) -> (i32)  : i32 {
      %mul3A_585 = arith.constant 64 : i32
      %mul3A_586 = arith.muli %scan3A_583, %mul3A_585 : i32
      %broadcast_in_dim3A_587 = arith.constant 0.000000e+00 : f32
      %broadcast_in_dim3A_588 = vector.broadcast %broadcast_in_dim3A_587 : f32 to vector<16xf32>
      %swap3A = arith.constant 3 : i32
      %swap3A_589 = arith.index_cast %swap3A : i32 to index
      %swap3A_590 = arith.index_cast %mul3A_586 : i32 to index
      %swap3A_591 = tpu.vector_load %arg7[%swap3A_589, %swap3A_590] {strides = array<i32>} : memref<16x4096xf32, #tpu.memory_space<vmem>>, vector<16xf32>,
      tpu.vector_store %arg7[%swap3A_589, %swap3A_590], %broadcast_in_dim3A_588 {strides = array<i32>} : memref<16x4096xf32, #tpu.memory_space<vmem>>, vector<16xf32>,
      %add3A_592 = arith.constant 16 : i32
      %add3A_593 = arith.addi %mul3A_586, %add3A_592 : i32
      %swap3A_594 = arith.constant 3 : i32
      %swap3A_595 = arith.index_cast %swap3A_594 : i32 to index
      %swap3A_596 = arith.index_cast %add3A_593 : i32 to index
      %swap3A_597 = tpu.vector_load %arg7[%swap3A_595, %swap3A_596] {strides = array<i32>} : memref<16x4096xf32, #tpu.memory_space<vmem>>, vector<16xf32>,
      tpu.vector_store %arg7[%swap3A_595, %swap3A_596], %broadcast_in_dim3A_588 {strides = array<i32>} : memref<16x4096xf32, #tpu.memory_space<vmem>>, vector<16xf32>,
      %add3A_598 = arith.constant 32 : i32
      %add3A_599 = arith.addi %mul3A_586, %add3A_598 : i32
      %swap3A_600 = arith.constant 3 : i32
      %swap3A_601 = arith.index_cast %swap3A_600 : i32 to index
      %swap3A_602 = arith.index_cast %add3A_599 : i32 to index
      %swap3A_603 = tpu.vector_load %arg7[%swap3A_601, %swap3A_602] {strides = array<i32>} : memref<16x4096xf32, #tpu.memory_space<vmem>>, vector<16xf32>,
      tpu.vector_store %arg7[%swap3A_601, %swap3A_602], %broadcast_in_dim3A_588 {strides = array<i32>} : memref<16x4096xf32, #tpu.memory_space<vmem>>, vector<16xf32>,
      %add3A_604 = arith.constant 48 : i32
      %add3A_605 = arith.addi %mul3A_586, %add3A_604 : i32
      %swap3A_606 = arith.constant 3 : i32
      %swap3A_607 = arith.index_cast %swap3A_606 : i32 to index
      %swap3A_608 = arith.index_cast %add3A_605 : i32 to index
      %swap3A_609 = tpu.vector_load %arg7[%swap3A_607, %swap3A_608] {strides = array<i32>} : memref<16x4096xf32, #tpu.memory_space<vmem>>, vector<16xf32>,
      tpu.vector_store %arg7[%swap3A_607, %swap3A_608], %broadcast_in_dim3A_588 {strides = array<i32>} : memref<16x4096xf32, #tpu.memory_space<vmem>>, vector<16xf32>,
      %scan3A_610 = arith.constant 0 : i32
      scf.yield %scan3A_610 : i32
    }
    %scan3A_59 = arith.constant 64 : i32
    %scan3A_60 = arith.constant 0 : i32
    %scan3A_61 = arith.constant 0 : i32
    %scan3A_62 = arith.constant 64 : i32
    %scan3A_63 = arith.addi %scan3A_61, %scan3A_62 : i32
    %scan3A_64 = arith.constant 1 : i32
    %scan3A_65 = scf.for %scan3A_583 = %scan3A_61 to %scan3A_63 step %scan3A_64 iter_args(%scan3A_584 = %scan3A_60) -> (i32)  : i32 {
      %mul3A_585 = arith.constant 64 : i32
      %mul3A_586 = arith.muli %scan3A_583, %mul3A_585 : i32
      %broadcast_in_dim3A_587 = arith.constant 0.000000e+00 : f32
      %broadcast_in_dim3A_588 = vector.broadcast %broadcast_in_dim3A_587 : f32 to vector<16xf32>
      %swap3A = arith.constant 4 : i32
      %swap3A_589 = arith.index_cast %swap3A : i32 to index
      %swap3A_590 = arith.index_cast %mul3A_586 : i32 to index
      %swap3A_591 = tpu.vector_load %arg7[%swap3A_589, %swap3A_590] {strides = array<i32>} : memref<16x4096xf32, #tpu.memory_space<vmem>>, vector<16xf32>,
      tpu.vector_store %arg7[%swap3A_589, %swap3A_590], %broadcast_in_dim3A_588 {strides = array<i32>} : memref<16x4096xf32, #tpu.memory_space<vmem>>, vector<16xf32>,
      %add3A_592 = arith.constant 16 : i32
      %add3A_593 = arith.addi %mul3A_586, %add3A_592 : i32
      %swap3A_594 = arith.constant 4 : i32
      %swap3A_595 = arith.index_cast %swap3A_594 : i32 to index
      %swap3A_596 = arith.index_cast %add3A_593 : i32 to index
      %swap3A_597 = tpu.vector_load %arg7[%swap3A_595, %swap3A_596] {strides = array<i32>} : memref<16x4096xf32, #tpu.memory_space<vmem>>, vector<16xf32>,
      tpu.vector_store %arg7[%swap3A_595, %swap3A_596], %broadcast_in_dim3A_588 {strides = array<i32>} : memref<16x4096xf32, #tpu.memory_space<vmem>>, vector<16xf32>,
      %add3A_598 = arith.constant 32 : i32
      %add3A_599 = arith.addi %mul3A_586, %add3A_598 : i32
      %swap3A_600 = arith.constant 4 : i32
      %swap3A_601 = arith.index_cast %swap3A_600 : i32 to index
      %swap3A_602 = arith.index_cast %add3A_599 : i32 to index
      %swap3A_603 = tpu.vector_load %arg7[%swap3A_601, %swap3A_602] {strides = array<i32>} : memref<16x4096xf32, #tpu.memory_space<vmem>>, vector<16xf32>,
      tpu.vector_store %arg7[%swap3A_601, %swap3A_602], %broadcast_in_dim3A_588 {strides = array<i32>} : memref<16x4096xf32, #tpu.memory_space<vmem>>, vector<16xf32>,
      %add3A_604 = arith.constant 48 : i32
      %add3A_605 = arith.addi %mul3A_586, %add3A_604 : i32
      %swap3A_606 = arith.constant 4 : i32
      %swap3A_607 = arith.index_cast %swap3A_606 : i32 to index
      %swap3A_608 = arith.index_cast %add3A_605 : i32 to index
      %swap3A_609 = tpu.vector_load %arg7[%swap3A_607, %swap3A_608] {strides = array<i32>} : memref<16x4096xf32, #tpu.memory_space<vmem>>, vector<16xf32>,
      tpu.vector_store %arg7[%swap3A_607, %swap3A_608], %broadcast_in_dim3A_588 {strides = array<i32>} : memref<16x4096xf32, #tpu.memory_space<vmem>>, vector<16xf32>,
      %scan3A_610 = arith.constant 0 : i32
      scf.yield %scan3A_610 : i32
    }
    %scan3A_66 = arith.constant 64 : i32
    %scan3A_67 = arith.constant 0 : i32
    %scan3A_68 = arith.constant 0 : i32
    %scan3A_69 = arith.constant 64 : i32
    %scan3A_70 = arith.addi %scan3A_68, %scan3A_69 : i32
    %scan3A_71 = arith.constant 1 : i32
    %scan3A_72 = scf.for %scan3A_583 = %scan3A_68 to %scan3A_70 step %scan3A_71 iter_args(%scan3A_584 = %scan3A_67) -> (i32)  : i32 {
      %mul3A_585 = arith.constant 64 : i32
      %mul3A_586 = arith.muli %scan3A_583, %mul3A_585 : i32
      %broadcast_in_dim3A_587 = arith.constant 0.000000e+00 : f32
      %broadcast_in_dim3A_588 = vector.broadcast %broadcast_in_dim3A_587 : f32 to vector<16xf32>
      %swap3A = arith.constant 5 : i32
      %swap3A_589 = arith.index_cast %swap3A : i32 to index
      %swap3A_590 = arith.index_cast %mul3A_586 : i32 to index
      %swap3A_591 = tpu.vector_load %arg7[%swap3A_589, %swap3A_590] {strides = array<i32>} : memref<16x4096xf32, #tpu.memory_space<vmem>>, vector<16xf32>,
      tpu.vector_store %arg7[%swap3A_589, %swap3A_590], %broadcast_in_dim3A_588 {strides = array<i32>} : memref<16x4096xf32, #tpu.memory_space<vmem>>, vector<16xf32>,
      %add3A_592 = arith.constant 16 : i32
      %add3A_593 = arith.addi %mul3A_586, %add3A_592 : i32
      %swap3A_594 = arith.constant 5 : i32
      %swap3A_595 = arith.index_cast %swap3A_594 : i32 to index
      %swap3A_596 = arith.index_cast %add3A_593 : i32 to index
      %swap3A_597 = tpu.vector_load %arg7[%swap3A_595, %swap3A_596] {strides = array<i32>} : memref<16x4096xf32, #tpu.memory_space<vmem>>, vector<16xf32>,
      tpu.vector_store %arg7[%swap3A_595, %swap3A_596], %broadcast_in_dim3A_588 {strides = array<i32>} : memref<16x4096xf32, #tpu.memory_space<vmem>>, vector<16xf32>,
      %add3A_598 = arith.constant 32 : i32
      %add3A_599 = arith.addi %mul3A_586, %add3A_598 : i32
      %swap3A_600 = arith.constant 5 : i32
      %swap3A_601 = arith.index_cast %swap3A_600 : i32 to index
      %swap3A_602 = arith.index_cast %add3A_599 : i32 to index
      %swap3A_603 = tpu.vector_load %arg7[%swap3A_601, %swap3A_602] {strides = array<i32>} : memref<16x4096xf32, #tpu.memory_space<vmem>>, vector<16xf32>,
      tpu.vector_store %arg7[%swap3A_601, %swap3A_602], %broadcast_in_dim3A_588 {strides = array<i32>} : memref<16x4096xf32, #tpu.memory_space<vmem>>, vector<16xf32>,
      %add3A_604 = arith.constant 48 : i32
      %add3A_605 = arith.addi %mul3A_586, %add3A_604 : i32
      %swap3A_606 = arith.constant 5 : i32
      %swap3A_607 = arith.index_cast %swap3A_606 : i32 to index
      %swap3A_608 = arith.index_cast %add3A_605 : i32 to index
      %swap3A_609 = tpu.vector_load %arg7[%swap3A_607, %swap3A_608] {strides = array<i32>} : memref<16x4096xf32, #tpu.memory_space<vmem>>, vector<16xf32>,
      tpu.vector_store %arg7[%swap3A_607, %swap3A_608], %broadcast_in_dim3A_588 {strides = array<i32>} : memref<16x4096xf32, #tpu.memory_space<vmem>>, vector<16xf32>,
      %scan3A_610 = arith.constant 0 : i32
      scf.yield %scan3A_610 : i32
    }
    %scan3A_73 = arith.constant 64 : i32
    %scan3A_74 = arith.constant 0 : i32
    %scan3A_75 = arith.constant 0 : i32
    %scan3A_76 = arith.constant 64 : i32
    %scan3A_77 = arith.addi %scan3A_75, %scan3A_76 : i32
    %scan3A_78 = arith.constant 1 : i32
    %scan3A_79 = scf.for %scan3A_583 = %scan3A_75 to %scan3A_77 step %scan3A_78 iter_args(%scan3A_584 = %scan3A_74) -> (i32)  : i32 {
      %mul3A_585 = arith.constant 64 : i32
      %mul3A_586 = arith.muli %scan3A_583, %mul3A_585 : i32
      %broadcast_in_dim3A_587 = arith.constant 0.000000e+00 : f32
      %broadcast_in_dim3A_588 = vector.broadcast %broadcast_in_dim3A_587 : f32 to vector<16xf32>
      %swap3A = arith.constant 6 : i32
      %swap3A_589 = arith.index_cast %swap3A : i32 to index
      %swap3A_590 = arith.index_cast %mul3A_586 : i32 to index
      %swap3A_591 = tpu.vector_load %arg7[%swap3A_589, %swap3A_590] {strides = array<i32>} : memref<16x4096xf32, #tpu.memory_space<vmem>>, vector<16xf32>,
      tpu.vector_store %arg7[%swap3A_589, %swap3A_590], %broadcast_in_dim3A_588 {strides = array<i32>} : memref<16x4096xf32, #tpu.memory_space<vmem>>, vector<16xf32>,
      %add3A_592 = arith.constant 16 : i32
      %add3A_593 = arith.addi %mul3A_586, %add3A_592 : i32
      %swap3A_594 = arith.constant 6 : i32
      %swap3A_595 = arith.index_cast %swap3A_594 : i32 to index
      %swap3A_596 = arith.index_cast %add3A_593 : i32 to index
      %swap3A_597 = tpu.vector_load %arg7[%swap3A_595, %swap3A_596] {strides = array<i32>} : memref<16x4096xf32, #tpu.memory_space<vmem>>, vector<16xf32>,
      tpu.vector_store %arg7[%swap3A_595, %swap3A_596], %broadcast_in_dim3A_588 {strides = array<i32>} : memref<16x4096xf32, #tpu.memory_space<vmem>>, vector<16xf32>,
      %add3A_598 = arith.constant 32 : i32
      %add3A_599 = arith.addi %mul3A_586, %add3A_598 : i32
      %swap3A_600 = arith.constant 6 : i32
      %swap3A_601 = arith.index_cast %swap3A_600 : i32 to index
      %swap3A_602 = arith.index_cast %add3A_599 : i32 to index
      %swap3A_603 = tpu.vector_load %arg7[%swap3A_601, %swap3A_602] {strides = array<i32>} : memref<16x4096xf32, #tpu.memory_space<vmem>>, vector<16xf32>,
      tpu.vector_store %arg7[%swap3A_601, %swap3A_602], %broadcast_in_dim3A_588 {strides = array<i32>} : memref<16x4096xf32, #tpu.memory_space<vmem>>, vector<16xf32>,
      %add3A_604 = arith.constant 48 : i32
      %add3A_605 = arith.addi %mul3A_586, %add3A_604 : i32
      %swap3A_606 = arith.constant 6 : i32
      %swap3A_607 = arith.index_cast %swap3A_606 : i32 to index
      %swap3A_608 = arith.index_cast %add3A_605 : i32 to index
      %swap3A_609 = tpu.vector_load %arg7[%swap3A_607, %swap3A_608] {strides = array<i32>} : memref<16x4096xf32, #tpu.memory_space<vmem>>, vector<16xf32>,
      tpu.vector_store %arg7[%swap3A_607, %swap3A_608], %broadcast_in_dim3A_588 {strides = array<i32>} : memref<16x4096xf32, #tpu.memory_space<vmem>>, vector<16xf32>,
      %scan3A_610 = arith.constant 0 : i32
      scf.yield %scan3A_610 : i32
    }
    %scan3A_80 = arith.constant 64 : i32
    %scan3A_81 = arith.constant 0 : i32
    %scan3A_82 = arith.constant 0 : i32
    %scan3A_83 = arith.constant 64 : i32
    %scan3A_84 = arith.addi %scan3A_82, %scan3A_83 : i32
    %scan3A_85 = arith.constant 1 : i32
    %scan3A_86 = scf.for %scan3A_583 = %scan3A_82 to %scan3A_84 step %scan3A_85 iter_args(%scan3A_584 = %scan3A_81) -> (i32)  : i32 {
      %mul3A_585 = arith.constant 64 : i32
      %mul3A_586 = arith.muli %scan3A_583, %mul3A_585 : i32
      %broadcast_in_dim3A_587 = arith.constant 0.000000e+00 : f32
      %broadcast_in_dim3A_588 = vector.broadcast %broadcast_in_dim3A_587 : f32 to vector<16xf32>
      %swap3A = arith.constant 7 : i32
      %swap3A_589 = arith.index_cast %swap3A : i32 to index
      %swap3A_590 = arith.index_cast %mul3A_586 : i32 to index
      %swap3A_591 = tpu.vector_load %arg7[%swap3A_589, %swap3A_590] {strides = array<i32>} : memref<16x4096xf32, #tpu.memory_space<vmem>>, vector<16xf32>,
      tpu.vector_store %arg7[%swap3A_589, %swap3A_590], %broadcast_in_dim3A_588 {strides = array<i32>} : memref<16x4096xf32, #tpu.memory_space<vmem>>, vector<16xf32>,
      %add3A_592 = arith.constant 16 : i32
      %add3A_593 = arith.addi %mul3A_586, %add3A_592 : i32
      %swap3A_594 = arith.constant 7 : i32
      %swap3A_595 = arith.index_cast %swap3A_594 : i32 to index
      %swap3A_596 = arith.index_cast %add3A_593 : i32 to index
      %swap3A_597 = tpu.vector_load %arg7[%swap3A_595, %swap3A_596] {strides = array<i32>} : memref<16x4096xf32, #tpu.memory_space<vmem>>, vector<16xf32>,
      tpu.vector_store %arg7[%swap3A_595, %swap3A_596], %broadcast_in_dim3A_588 {strides = array<i32>} : memref<16x4096xf32, #tpu.memory_space<vmem>>, vector<16xf32>,
      %add3A_598 = arith.constant 32 : i32
      %add3A_599 = arith.addi %mul3A_586, %add3A_598 : i32
      %swap3A_600 = arith.constant 7 : i32
      %swap3A_601 = arith.index_cast %swap3A_600 : i32 to index
      %swap3A_602 = arith.index_cast %add3A_599 : i32 to index
      %swap3A_603 = tpu.vector_load %arg7[%swap3A_601, %swap3A_602] {strides = array<i32>} : memref<16x4096xf32, #tpu.memory_space<vmem>>, vector<16xf32>,
      tpu.vector_store %arg7[%swap3A_601, %swap3A_602], %broadcast_in_dim3A_588 {strides = array<i32>} : memref<16x4096xf32, #tpu.memory_space<vmem>>, vector<16xf32>,
      %add3A_604 = arith.constant 48 : i32
      %add3A_605 = arith.addi %mul3A_586, %add3A_604 : i32
      %swap3A_606 = arith.constant 7 : i32
      %swap3A_607 = arith.index_cast %swap3A_606 : i32 to index
      %swap3A_608 = arith.index_cast %add3A_605 : i32 to index
      %swap3A_609 = tpu.vector_load %arg7[%swap3A_607, %swap3A_608] {strides = array<i32>} : memref<16x4096xf32, #tpu.memory_space<vmem>>, vector<16xf32>,
      tpu.vector_store %arg7[%swap3A_607, %swap3A_608], %broadcast_in_dim3A_588 {strides = array<i32>} : memref<16x4096xf32, #tpu.memory_space<vmem>>, vector<16xf32>,
      %scan3A_610 = arith.constant 0 : i32
      scf.yield %scan3A_610 : i32
    }
    %scan3A_87 = arith.constant 64 : i32
    %scan3A_88 = arith.constant 0 : i32
    %scan3A_89 = arith.constant 0 : i32
    %scan3A_90 = arith.constant 64 : i32
    %scan3A_91 = arith.addi %scan3A_89, %scan3A_90 : i32
    %scan3A_92 = arith.constant 1 : i32
    %scan3A_93 = scf.for %scan3A_583 = %scan3A_89 to %scan3A_91 step %scan3A_92 iter_args(%scan3A_584 = %scan3A_88) -> (i32)  : i32 {
      %mul3A_585 = arith.constant 64 : i32
      %mul3A_586 = arith.muli %scan3A_583, %mul3A_585 : i32
      %broadcast_in_dim3A_587 = arith.constant 0.000000e+00 : f32
      %broadcast_in_dim3A_588 = vector.broadcast %broadcast_in_dim3A_587 : f32 to vector<16xf32>
      %swap3A = arith.constant 8 : i32
      %swap3A_589 = arith.index_cast %swap3A : i32 to index
      %swap3A_590 = arith.index_cast %mul3A_586 : i32 to index
      %swap3A_591 = tpu.vector_load %arg7[%swap3A_589, %swap3A_590] {strides = array<i32>} : memref<16x4096xf32, #tpu.memory_space<vmem>>, vector<16xf32>,
      tpu.vector_store %arg7[%swap3A_589, %swap3A_590], %broadcast_in_dim3A_588 {strides = array<i32>} : memref<16x4096xf32, #tpu.memory_space<vmem>>, vector<16xf32>,
      %add3A_592 = arith.constant 16 : i32
      %add3A_593 = arith.addi %mul3A_586, %add3A_592 : i32
      %swap3A_594 = arith.constant 8 : i32
      %swap3A_595 = arith.index_cast %swap3A_594 : i32 to index
      %swap3A_596 = arith.index_cast %add3A_593 : i32 to index
      %swap3A_597 = tpu.vector_load %arg7[%swap3A_595, %swap3A_596] {strides = array<i32>} : memref<16x4096xf32, #tpu.memory_space<vmem>>, vector<16xf32>,
      tpu.vector_store %arg7[%swap3A_595, %swap3A_596], %broadcast_in_dim3A_588 {strides = array<i32>} : memref<16x4096xf32, #tpu.memory_space<vmem>>, vector<16xf32>,
      %add3A_598 = arith.constant 32 : i32
      %add3A_599 = arith.addi %mul3A_586, %add3A_598 : i32
      %swap3A_600 = arith.constant 8 : i32
      %swap3A_601 = arith.index_cast %swap3A_600 : i32 to index
      %swap3A_602 = arith.index_cast %add3A_599 : i32 to index
      %swap3A_603 = tpu.vector_load %arg7[%swap3A_601, %swap3A_602] {strides = array<i32>} : memref<16x4096xf32, #tpu.memory_space<vmem>>, vector<16xf32>,
      tpu.vector_store %arg7[%swap3A_601, %swap3A_602], %broadcast_in_dim3A_588 {strides = array<i32>} : memref<16x4096xf32, #tpu.memory_space<vmem>>, vector<16xf32>,
      %add3A_604 = arith.constant 48 : i32
      %add3A_605 = arith.addi %mul3A_586, %add3A_604 : i32
      %swap3A_606 = arith.constant 8 : i32
      %swap3A_607 = arith.index_cast %swap3A_606 : i32 to index
      %swap3A_608 = arith.index_cast %add3A_605 : i32 to index
      %swap3A_609 = tpu.vector_load %arg7[%swap3A_607, %swap3A_608] {strides = array<i32>} : memref<16x4096xf32, #tpu.memory_space<vmem>>, vector<16xf32>,
      tpu.vector_store %arg7[%swap3A_607, %swap3A_608], %broadcast_in_dim3A_588 {strides = array<i32>} : memref<16x4096xf32, #tpu.memory_space<vmem>>, vector<16xf32>,
      %scan3A_610 = arith.constant 0 : i32
      scf.yield %scan3A_610 : i32
    }
    %scan3A_94 = arith.constant 64 : i32
    %scan3A_95 = arith.constant 0 : i32
    %scan3A_96 = arith.constant 0 : i32
    %scan3A_97 = arith.constant 64 : i32
    %scan3A_98 = arith.addi %scan3A_96, %scan3A_97 : i32
    %scan3A_99 = arith.constant 1 : i32
    %scan3A_100 = scf.for %scan3A_583 = %scan3A_96 to %scan3A_98 step %scan3A_99 iter_args(%scan3A_584 = %scan3A_95) -> (i32)  : i32 {
      %mul3A_585 = arith.constant 64 : i32
      %mul3A_586 = arith.muli %scan3A_583, %mul3A_585 : i32
      %broadcast_in_dim3A_587 = arith.constant 0.000000e+00 : f32
      %broadcast_in_dim3A_588 = vector.broadcast %broadcast_in_dim3A_587 : f32 to vector<16xf32>
      %swap3A = arith.constant 9 : i32
      %swap3A_589 = arith.index_cast %swap3A : i32 to index
      %swap3A_590 = arith.index_cast %mul3A_586 : i32 to index
      %swap3A_591 = tpu.vector_load %arg7[%swap3A_589, %swap3A_590] {strides = array<i32>} : memref<16x4096xf32, #tpu.memory_space<vmem>>, vector<16xf32>,
      tpu.vector_store %arg7[%swap3A_589, %swap3A_590], %broadcast_in_dim3A_588 {strides = array<i32>} : memref<16x4096xf32, #tpu.memory_space<vmem>>, vector<16xf32>,
      %add3A_592 = arith.constant 16 : i32
      %add3A_593 = arith.addi %mul3A_586, %add3A_592 : i32
      %swap3A_594 = arith.constant 9 : i32
      %swap3A_595 = arith.index_cast %swap3A_594 : i32 to index
      %swap3A_596 = arith.index_cast %add3A_593 : i32 to index
      %swap3A_597 = tpu.vector_load %arg7[%swap3A_595, %swap3A_596] {strides = array<i32>} : memref<16x4096xf32, #tpu.memory_space<vmem>>, vector<16xf32>,
      tpu.vector_store %arg7[%swap3A_595, %swap3A_596], %broadcast_in_dim3A_588 {strides = array<i32>} : memref<16x4096xf32, #tpu.memory_space<vmem>>, vector<16xf32>,
      %add3A_598 = arith.constant 32 : i32
      %add3A_599 = arith.addi %mul3A_586, %add3A_598 : i32
      %swap3A_600 = arith.constant 9 : i32
      %swap3A_601 = arith.index_cast %swap3A_600 : i32 to index
      %swap3A_602 = arith.index_cast %add3A_599 : i32 to index
      %swap3A_603 = tpu.vector_load %arg7[%swap3A_601, %swap3A_602] {strides = array<i32>} : memref<16x4096xf32, #tpu.memory_space<vmem>>, vector<16xf32>,
      tpu.vector_store %arg7[%swap3A_601, %swap3A_602], %broadcast_in_dim3A_588 {strides = array<i32>} : memref<16x4096xf32, #tpu.memory_space<vmem>>, vector<16xf32>,
      %add3A_604 = arith.constant 48 : i32
      %add3A_605 = arith.addi %mul3A_586, %add3A_604 : i32
      %swap3A_606 = arith.constant 9 : i32
      %swap3A_607 = arith.index_cast %swap3A_606 : i32 to index
      %swap3A_608 = arith.index_cast %add3A_605 : i32 to index
      %swap3A_609 = tpu.vector_load %arg7[%swap3A_607, %swap3A_608] {strides = array<i32>} : memref<16x4096xf32, #tpu.memory_space<vmem>>, vector<16xf32>,
      tpu.vector_store %arg7[%swap3A_607, %swap3A_608], %broadcast_in_dim3A_588 {strides = array<i32>} : memref<16x4096xf32, #tpu.memory_space<vmem>>, vector<16xf32>,
      %scan3A_610 = arith.constant 0 : i32
      scf.yield %scan3A_610 : i32
    }
    %scan3A_101 = arith.constant 64 : i32
    %scan3A_102 = arith.constant 0 : i32
    %scan3A_103 = arith.constant 0 : i32
    %scan3A_104 = arith.constant 64 : i32
    %scan3A_105 = arith.addi %scan3A_103, %scan3A_104 : i32
    %scan3A_106 = arith.constant 1 : i32
    %scan3A_107 = scf.for %scan3A_583 = %scan3A_103 to %scan3A_105 step %scan3A_106 iter_args(%scan3A_584 = %scan3A_102) -> (i32)  : i32 {
      %mul3A_585 = arith.constant 64 : i32
      %mul3A_586 = arith.muli %scan3A_583, %mul3A_585 : i32
      %broadcast_in_dim3A_587 = arith.constant 0.000000e+00 : f32
      %broadcast_in_dim3A_588 = vector.broadcast %broadcast_in_dim3A_587 : f32 to vector<16xf32>
      %swap3A = arith.constant 10 : i32
      %swap3A_589 = arith.index_cast %swap3A : i32 to index
      %swap3A_590 = arith.index_cast %mul3A_586 : i32 to index
      %swap3A_591 = tpu.vector_load %arg7[%swap3A_589, %swap3A_590] {strides = array<i32>} : memref<16x4096xf32, #tpu.memory_space<vmem>>, vector<16xf32>,
      tpu.vector_store %arg7[%swap3A_589, %swap3A_590], %broadcast_in_dim3A_588 {strides = array<i32>} : memref<16x4096xf32, #tpu.memory_space<vmem>>, vector<16xf32>,
      %add3A_592 = arith.constant 16 : i32
      %add3A_593 = arith.addi %mul3A_586, %add3A_592 : i32
      %swap3A_594 = arith.constant 10 : i32
      %swap3A_595 = arith.index_cast %swap3A_594 : i32 to index
      %swap3A_596 = arith.index_cast %add3A_593 : i32 to index
      %swap3A_597 = tpu.vector_load %arg7[%swap3A_595, %swap3A_596] {strides = array<i32>} : memref<16x4096xf32, #tpu.memory_space<vmem>>, vector<16xf32>,
      tpu.vector_store %arg7[%swap3A_595, %swap3A_596], %broadcast_in_dim3A_588 {strides = array<i32>} : memref<16x4096xf32, #tpu.memory_space<vmem>>, vector<16xf32>,
      %add3A_598 = arith.constant 32 : i32
      %add3A_599 = arith.addi %mul3A_586, %add3A_598 : i32
      %swap3A_600 = arith.constant 10 : i32
      %swap3A_601 = arith.index_cast %swap3A_600 : i32 to index
      %swap3A_602 = arith.index_cast %add3A_599 : i32 to index
      %swap3A_603 = tpu.vector_load %arg7[%swap3A_601, %swap3A_602] {strides = array<i32>} : memref<16x4096xf32, #tpu.memory_space<vmem>>, vector<16xf32>,
      tpu.vector_store %arg7[%swap3A_601, %swap3A_602], %broadcast_in_dim3A_588 {strides = array<i32>} : memref<16x4096xf32, #tpu.memory_space<vmem>>, vector<16xf32>,
      %add3A_604 = arith.constant 48 : i32
      %add3A_605 = arith.addi %mul3A_586, %add3A_604 : i32
      %swap3A_606 = arith.constant 10 : i32
      %swap3A_607 = arith.index_cast %swap3A_606 : i32 to index
      %swap3A_608 = arith.index_cast %add3A_605 : i32 to index
      %swap3A_609 = tpu.vector_load %arg7[%swap3A_607, %swap3A_608] {strides = array<i32>} : memref<16x4096xf32, #tpu.memory_space<vmem>>, vector<16xf32>,
      tpu.vector_store %arg7[%swap3A_607, %swap3A_608], %broadcast_in_dim3A_588 {strides = array<i32>} : memref<16x4096xf32, #tpu.memory_space<vmem>>, vector<16xf32>,
      %scan3A_610 = arith.constant 0 : i32
      scf.yield %scan3A_610 : i32
    }
    %scan3A_108 = arith.constant 64 : i32
    %scan3A_109 = arith.constant 0 : i32
    %scan3A_110 = arith.constant 0 : i32
    %scan3A_111 = arith.constant 64 : i32
    %scan3A_112 = arith.addi %scan3A_110, %scan3A_111 : i32
    %scan3A_113 = arith.constant 1 : i32
    %scan3A_114 = scf.for %scan3A_583 = %scan3A_110 to %scan3A_112 step %scan3A_113 iter_args(%scan3A_584 = %scan3A_109) -> (i32)  : i32 {
      %mul3A_585 = arith.constant 64 : i32
      %mul3A_586 = arith.muli %scan3A_583, %mul3A_585 : i32
      %broadcast_in_dim3A_587 = arith.constant 0.000000e+00 : f32
      %broadcast_in_dim3A_588 = vector.broadcast %broadcast_in_dim3A_587 : f32 to vector<16xf32>
      %swap3A = arith.constant 11 : i32
      %swap3A_589 = arith.index_cast %swap3A : i32 to index
      %swap3A_590 = arith.index_cast %mul3A_586 : i32 to index
      %swap3A_591 = tpu.vector_load %arg7[%swap3A_589, %swap3A_590] {strides = array<i32>} : memref<16x4096xf32, #tpu.memory_space<vmem>>, vector<16xf32>,
      tpu.vector_store %arg7[%swap3A_589, %swap3A_590], %broadcast_in_dim3A_588 {strides = array<i32>} : memref<16x4096xf32, #tpu.memory_space<vmem>>, vector<16xf32>,
      %add3A_592 = arith.constant 16 : i32
      %add3A_593 = arith.addi %mul3A_586, %add3A_592 : i32
      %swap3A_594 = arith.constant 11 : i32
      %swap3A_595 = arith.index_cast %swap3A_594 : i32 to index
      %swap3A_596 = arith.index_cast %add3A_593 : i32 to index
      %swap3A_597 = tpu.vector_load %arg7[%swap3A_595, %swap3A_596] {strides = array<i32>} : memref<16x4096xf32, #tpu.memory_space<vmem>>, vector<16xf32>,
      tpu.vector_store %arg7[%swap3A_595, %swap3A_596], %broadcast_in_dim3A_588 {strides = array<i32>} : memref<16x4096xf32, #tpu.memory_space<vmem>>, vector<16xf32>,
      %add3A_598 = arith.constant 32 : i32
      %add3A_599 = arith.addi %mul3A_586, %add3A_598 : i32
      %swap3A_600 = arith.constant 11 : i32
      %swap3A_601 = arith.index_cast %swap3A_600 : i32 to index
      %swap3A_602 = arith.index_cast %add3A_599 : i32 to index
      %swap3A_603 = tpu.vector_load %arg7[%swap3A_601, %swap3A_602] {strides = array<i32>} : memref<16x4096xf32, #tpu.memory_space<vmem>>, vector<16xf32>,
      tpu.vector_store %arg7[%swap3A_601, %swap3A_602], %broadcast_in_dim3A_588 {strides = array<i32>} : memref<16x4096xf32, #tpu.memory_space<vmem>>, vector<16xf32>,
      %add3A_604 = arith.constant 48 : i32
      %add3A_605 = arith.addi %mul3A_586, %add3A_604 : i32
      %swap3A_606 = arith.constant 11 : i32
      %swap3A_607 = arith.index_cast %swap3A_606 : i32 to index
      %swap3A_608 = arith.index_cast %add3A_605 : i32 to index
      %swap3A_609 = tpu.vector_load %arg7[%swap3A_607, %swap3A_608] {strides = array<i32>} : memref<16x4096xf32, #tpu.memory_space<vmem>>, vector<16xf32>,
      tpu.vector_store %arg7[%swap3A_607, %swap3A_608], %broadcast_in_dim3A_588 {strides = array<i32>} : memref<16x4096xf32, #tpu.memory_space<vmem>>, vector<16xf32>,
      %scan3A_610 = arith.constant 0 : i32
      scf.yield %scan3A_610 : i32
    }
    %scan3A_115 = arith.constant 64 : i32
    %scan3A_116 = arith.constant 0 : i32
    %scan3A_117 = arith.constant 0 : i32
    %scan3A_118 = arith.constant 64 : i32
    %scan3A_119 = arith.addi %scan3A_117, %scan3A_118 : i32
    %scan3A_120 = arith.constant 1 : i32
    %scan3A_121 = scf.for %scan3A_583 = %scan3A_117 to %scan3A_119 step %scan3A_120 iter_args(%scan3A_584 = %scan3A_116) -> (i32)  : i32 {
      %mul3A_585 = arith.constant 64 : i32
      %mul3A_586 = arith.muli %scan3A_583, %mul3A_585 : i32
      %broadcast_in_dim3A_587 = arith.constant 0.000000e+00 : f32
      %broadcast_in_dim3A_588 = vector.broadcast %broadcast_in_dim3A_587 : f32 to vector<16xf32>
      %swap3A = arith.constant 12 : i32
      %swap3A_589 = arith.index_cast %swap3A : i32 to index
      %swap3A_590 = arith.index_cast %mul3A_586 : i32 to index
      %swap3A_591 = tpu.vector_load %arg7[%swap3A_589, %swap3A_590] {strides = array<i32>} : memref<16x4096xf32, #tpu.memory_space<vmem>>, vector<16xf32>,
      tpu.vector_store %arg7[%swap3A_589, %swap3A_590], %broadcast_in_dim3A_588 {strides = array<i32>} : memref<16x4096xf32, #tpu.memory_space<vmem>>, vector<16xf32>,
      %add3A_592 = arith.constant 16 : i32
      %add3A_593 = arith.addi %mul3A_586, %add3A_592 : i32
      %swap3A_594 = arith.constant 12 : i32
      %swap3A_595 = arith.index_cast %swap3A_594 : i32 to index
      %swap3A_596 = arith.index_cast %add3A_593 : i32 to index
      %swap3A_597 = tpu.vector_load %arg7[%swap3A_595, %swap3A_596] {strides = array<i32>} : memref<16x4096xf32, #tpu.memory_space<vmem>>, vector<16xf32>,
      tpu.vector_store %arg7[%swap3A_595, %swap3A_596], %broadcast_in_dim3A_588 {strides = array<i32>} : memref<16x4096xf32, #tpu.memory_space<vmem>>, vector<16xf32>,
      %add3A_598 = arith.constant 32 : i32
      %add3A_599 = arith.addi %mul3A_586, %add3A_598 : i32
      %swap3A_600 = arith.constant 12 : i32
      %swap3A_601 = arith.index_cast %swap3A_600 : i32 to index
      %swap3A_602 = arith.index_cast %add3A_599 : i32 to index
      %swap3A_603 = tpu.vector_load %arg7[%swap3A_601, %swap3A_602] {strides = array<i32>} : memref<16x4096xf32, #tpu.memory_space<vmem>>, vector<16xf32>,
      tpu.vector_store %arg7[%swap3A_601, %swap3A_602], %broadcast_in_dim3A_588 {strides = array<i32>} : memref<16x4096xf32, #tpu.memory_space<vmem>>, vector<16xf32>,
      %add3A_604 = arith.constant 48 : i32
      %add3A_605 = arith.addi %mul3A_586, %add3A_604 : i32
      %swap3A_606 = arith.constant 12 : i32
      %swap3A_607 = arith.index_cast %swap3A_606 : i32 to index
      %swap3A_608 = arith.index_cast %add3A_605 : i32 to index
      %swap3A_609 = tpu.vector_load %arg7[%swap3A_607, %swap3A_608] {strides = array<i32>} : memref<16x4096xf32, #tpu.memory_space<vmem>>, vector<16xf32>,
      tpu.vector_store %arg7[%swap3A_607, %swap3A_608], %broadcast_in_dim3A_588 {strides = array<i32>} : memref<16x4096xf32, #tpu.memory_space<vmem>>, vector<16xf32>,
      %scan3A_610 = arith.constant 0 : i32
      scf.yield %scan3A_610 : i32
    }
    %scan3A_122 = arith.constant 64 : i32
    %scan3A_123 = arith.constant 0 : i32
    %scan3A_124 = arith.constant 0 : i32
    %scan3A_125 = arith.constant 64 : i32
    %scan3A_126 = arith.addi %scan3A_124, %scan3A_125 : i32
    %scan3A_127 = arith.constant 1 : i32
    %scan3A_128 = scf.for %scan3A_583 = %scan3A_124 to %scan3A_126 step %scan3A_127 iter_args(%scan3A_584 = %scan3A_123) -> (i32)  : i32 {
      %mul3A_585 = arith.constant 64 : i32
      %mul3A_586 = arith.muli %scan3A_583, %mul3A_585 : i32
      %broadcast_in_dim3A_587 = arith.constant 0.000000e+00 : f32
      %broadcast_in_dim3A_588 = vector.broadcast %broadcast_in_dim3A_587 : f32 to vector<16xf32>
      %swap3A = arith.constant 13 : i32
      %swap3A_589 = arith.index_cast %swap3A : i32 to index
      %swap3A_590 = arith.index_cast %mul3A_586 : i32 to index
      %swap3A_591 = tpu.vector_load %arg7[%swap3A_589, %swap3A_590] {strides = array<i32>} : memref<16x4096xf32, #tpu.memory_space<vmem>>, vector<16xf32>,
      tpu.vector_store %arg7[%swap3A_589, %swap3A_590], %broadcast_in_dim3A_588 {strides = array<i32>} : memref<16x4096xf32, #tpu.memory_space<vmem>>, vector<16xf32>,
      %add3A_592 = arith.constant 16 : i32
      %add3A_593 = arith.addi %mul3A_586, %add3A_592 : i32
      %swap3A_594 = arith.constant 13 : i32
      %swap3A_595 = arith.index_cast %swap3A_594 : i32 to index
      %swap3A_596 = arith.index_cast %add3A_593 : i32 to index
      %swap3A_597 = tpu.vector_load %arg7[%swap3A_595, %swap3A_596] {strides = array<i32>} : memref<16x4096xf32, #tpu.memory_space<vmem>>, vector<16xf32>,
      tpu.vector_store %arg7[%swap3A_595, %swap3A_596], %broadcast_in_dim3A_588 {strides = array<i32>} : memref<16x4096xf32, #tpu.memory_space<vmem>>, vector<16xf32>,
      %add3A_598 = arith.constant 32 : i32
      %add3A_599 = arith.addi %mul3A_586, %add3A_598 : i32
      %swap3A_600 = arith.constant 13 : i32
      %swap3A_601 = arith.index_cast %swap3A_600 : i32 to index
      %swap3A_602 = arith.index_cast %add3A_599 : i32 to index
      %swap3A_603 = tpu.vector_load %arg7[%swap3A_601, %swap3A_602] {strides = array<i32>} : memref<16x4096xf32, #tpu.memory_space<vmem>>, vector<16xf32>,
      tpu.vector_store %arg7[%swap3A_601, %swap3A_602], %broadcast_in_dim3A_588 {strides = array<i32>} : memref<16x4096xf32, #tpu.memory_space<vmem>>, vector<16xf32>,
      %add3A_604 = arith.constant 48 : i32
      %add3A_605 = arith.addi %mul3A_586, %add3A_604 : i32
      %swap3A_606 = arith.constant 13 : i32
      %swap3A_607 = arith.index_cast %swap3A_606 : i32 to index
      %swap3A_608 = arith.index_cast %add3A_605 : i32 to index
      %swap3A_609 = tpu.vector_load %arg7[%swap3A_607, %swap3A_608] {strides = array<i32>} : memref<16x4096xf32, #tpu.memory_space<vmem>>, vector<16xf32>,
      tpu.vector_store %arg7[%swap3A_607, %swap3A_608], %broadcast_in_dim3A_588 {strides = array<i32>} : memref<16x4096xf32, #tpu.memory_space<vmem>>, vector<16xf32>,
      %scan3A_610 = arith.constant 0 : i32
      scf.yield %scan3A_610 : i32
    }
    %scan3A_129 = arith.constant 64 : i32
    %scan3A_130 = arith.constant 0 : i32
    %scan3A_131 = arith.constant 0 : i32
    %scan3A_132 = arith.constant 64 : i32
    %scan3A_133 = arith.addi %scan3A_131, %scan3A_132 : i32
    %scan3A_134 = arith.constant 1 : i32
    %scan3A_135 = scf.for %scan3A_583 = %scan3A_131 to %scan3A_133 step %scan3A_134 iter_args(%scan3A_584 = %scan3A_130) -> (i32)  : i32 {
      %mul3A_585 = arith.constant 64 : i32
      %mul3A_586 = arith.muli %scan3A_583, %mul3A_585 : i32
      %broadcast_in_dim3A_587 = arith.constant 0.000000e+00 : f32
      %broadcast_in_dim3A_588 = vector.broadcast %broadcast_in_dim3A_587 : f32 to vector<16xf32>
      %swap3A = arith.constant 14 : i32
      %swap3A_589 = arith.index_cast %swap3A : i32 to index
      %swap3A_590 = arith.index_cast %mul3A_586 : i32 to index
      %swap3A_591 = tpu.vector_load %arg7[%swap3A_589, %swap3A_590] {strides = array<i32>} : memref<16x4096xf32, #tpu.memory_space<vmem>>, vector<16xf32>,
      tpu.vector_store %arg7[%swap3A_589, %swap3A_590], %broadcast_in_dim3A_588 {strides = array<i32>} : memref<16x4096xf32, #tpu.memory_space<vmem>>, vector<16xf32>,
      %add3A_592 = arith.constant 16 : i32
      %add3A_593 = arith.addi %mul3A_586, %add3A_592 : i32
      %swap3A_594 = arith.constant 14 : i32
      %swap3A_595 = arith.index_cast %swap3A_594 : i32 to index
      %swap3A_596 = arith.index_cast %add3A_593 : i32 to index
      %swap3A_597 = tpu.vector_load %arg7[%swap3A_595, %swap3A_596] {strides = array<i32>} : memref<16x4096xf32, #tpu.memory_space<vmem>>, vector<16xf32>,
      tpu.vector_store %arg7[%swap3A_595, %swap3A_596], %broadcast_in_dim3A_588 {strides = array<i32>} : memref<16x4096xf32, #tpu.memory_space<vmem>>, vector<16xf32>,
      %add3A_598 = arith.constant 32 : i32
      %add3A_599 = arith.addi %mul3A_586, %add3A_598 : i32
      %swap3A_600 = arith.constant 14 : i32
      %swap3A_601 = arith.index_cast %swap3A_600 : i32 to index
      %swap3A_602 = arith.index_cast %add3A_599 : i32 to index
      %swap3A_603 = tpu.vector_load %arg7[%swap3A_601, %swap3A_602] {strides = array<i32>} : memref<16x4096xf32, #tpu.memory_space<vmem>>, vector<16xf32>,
      tpu.vector_store %arg7[%swap3A_601, %swap3A_602], %broadcast_in_dim3A_588 {strides = array<i32>} : memref<16x4096xf32, #tpu.memory_space<vmem>>, vector<16xf32>,
      %add3A_604 = arith.constant 48 : i32
      %add3A_605 = arith.addi %mul3A_586, %add3A_604 : i32
      %swap3A_606 = arith.constant 14 : i32
      %swap3A_607 = arith.index_cast %swap3A_606 : i32 to index
      %swap3A_608 = arith.index_cast %add3A_605 : i32 to index
      %swap3A_609 = tpu.vector_load %arg7[%swap3A_607, %swap3A_608] {strides = array<i32>} : memref<16x4096xf32, #tpu.memory_space<vmem>>, vector<16xf32>,
      tpu.vector_store %arg7[%swap3A_607, %swap3A_608], %broadcast_in_dim3A_588 {strides = array<i32>} : memref<16x4096xf32, #tpu.memory_space<vmem>>, vector<16xf32>,
      %scan3A_610 = arith.constant 0 : i32
      scf.yield %scan3A_610 : i32
    }
    %scan3A_136 = arith.constant 64 : i32
    %scan3A_137 = arith.constant 0 : i32
    %scan3A_138 = arith.constant 0 : i32
    %scan3A_139 = arith.constant 64 : i32
    %scan3A_140 = arith.addi %scan3A_138, %scan3A_139 : i32
    %scan3A_141 = arith.constant 1 : i32
    %scan3A_142 = scf.for %scan3A_583 = %scan3A_138 to %scan3A_140 step %scan3A_141 iter_args(%scan3A_584 = %scan3A_137) -> (i32)  : i32 {
      %mul3A_585 = arith.constant 64 : i32
      %mul3A_586 = arith.muli %scan3A_583, %mul3A_585 : i32
      %broadcast_in_dim3A_587 = arith.constant 0.000000e+00 : f32
      %broadcast_in_dim3A_588 = vector.broadcast %broadcast_in_dim3A_587 : f32 to vector<16xf32>
      %swap3A = arith.constant 15 : i32
      %swap3A_589 = arith.index_cast %swap3A : i32 to index
      %swap3A_590 = arith.index_cast %mul3A_586 : i32 to index
      %swap3A_591 = tpu.vector_load %arg7[%swap3A_589, %swap3A_590] {strides = array<i32>} : memref<16x4096xf32, #tpu.memory_space<vmem>>, vector<16xf32>,
      tpu.vector_store %arg7[%swap3A_589, %swap3A_590], %broadcast_in_dim3A_588 {strides = array<i32>} : memref<16x4096xf32, #tpu.memory_space<vmem>>, vector<16xf32>,
      %add3A_592 = arith.constant 16 : i32
      %add3A_593 = arith.addi %mul3A_586, %add3A_592 : i32
      %swap3A_594 = arith.constant 15 : i32
      %swap3A_595 = arith.index_cast %swap3A_594 : i32 to index
      %swap3A_596 = arith.index_cast %add3A_593 : i32 to index
      %swap3A_597 = tpu.vector_load %arg7[%swap3A_595, %swap3A_596] {strides = array<i32>} : memref<16x4096xf32, #tpu.memory_space<vmem>>, vector<16xf32>,
      tpu.vector_store %arg7[%swap3A_595, %swap3A_596], %broadcast_in_dim3A_588 {strides = array<i32>} : memref<16x4096xf32, #tpu.memory_space<vmem>>, vector<16xf32>,
      %add3A_598 = arith.constant 32 : i32
      %add3A_599 = arith.addi %mul3A_586, %add3A_598 : i32
      %swap3A_600 = arith.constant 15 : i32
      %swap3A_601 = arith.index_cast %swap3A_600 : i32 to index
      %swap3A_602 = arith.index_cast %add3A_599 : i32 to index
      %swap3A_603 = tpu.vector_load %arg7[%swap3A_601, %swap3A_602] {strides = array<i32>} : memref<16x4096xf32, #tpu.memory_space<vmem>>, vector<16xf32>,
      tpu.vector_store %arg7[%swap3A_601, %swap3A_602], %broadcast_in_dim3A_588 {strides = array<i32>} : memref<16x4096xf32, #tpu.memory_space<vmem>>, vector<16xf32>,
      %add3A_604 = arith.constant 48 : i32
      %add3A_605 = arith.addi %mul3A_586, %add3A_604 : i32
      %swap3A_606 = arith.constant 15 : i32
      %swap3A_607 = arith.index_cast %swap3A_606 : i32 to index
      %swap3A_608 = arith.index_cast %add3A_605 : i32 to index
      %swap3A_609 = tpu.vector_load %arg7[%swap3A_607, %swap3A_608] {strides = array<i32>} : memref<16x4096xf32, #tpu.memory_space<vmem>>, vector<16xf32>,
      tpu.vector_store %arg7[%swap3A_607, %swap3A_608], %broadcast_in_dim3A_588 {strides = array<i32>} : memref<16x4096xf32, #tpu.memory_space<vmem>>, vector<16xf32>,
      %scan3A_610 = arith.constant 0 : i32
      scf.yield %scan3A_610 : i32
    }
    %scan3A_143 = arith.constant 64 : i32
    %broadcast_in_dim3A = arith.constant 0.000000e+00 : f32
    %broadcast_in_dim3A_144 = vector.broadcast %broadcast_in_dim3A : f32 to vector<16xf32>
    %iota3A = tpu.iota {dimensions = array<i32: 0>} : vector<16xi32>
    %add3A_145 = arith.constant 0 : i32
    %add3A_146 = vector.broadcast %add3A_145 : i32 to vector<16xi32>
    %add3A_147 = arith.addi %iota3A, %add3A_146 : vector<16xi32>
    %broadcast_in_dim3A_148 = arith.constant 0 : i32
    %broadcast_in_dim3A_149 = vector.broadcast %broadcast_in_dim3A_148 : i32 to vector<16xi32>
    %gather3A = tpu.vector_load_idx %arg5[%add3A_147, %broadcast_in_dim3A_149] : memref<128x8xf32, #tpu.memory_space<vmem>>[vector<16xi32>, vector<16xi32>], vector<16xf32>,
    %add3A_150 = arith.constant 1 : i32
    %add3A_151 = vector.broadcast %add3A_150 : i32 to vector<16xi32>
    %add3A_152 = arith.addi %broadcast_in_dim3A_149, %add3A_151 : vector<16xi32>
    %gather3A_153 = tpu.vector_load_idx %arg5[%add3A_147, %add3A_152] : memref<128x8xf32, #tpu.memory_space<vmem>>[vector<16xi32>, vector<16xi32>], vector<16xf32>,
    %add3A_154 = arith.constant 2 : i32
    %add3A_155 = vector.broadcast %add3A_154 : i32 to vector<16xi32>
    %add3A_156 = arith.addi %broadcast_in_dim3A_149, %add3A_155 : vector<16xi32>
    %gather3A_157 = tpu.vector_load_idx %arg5[%add3A_147, %add3A_156] : memref<128x8xf32, #tpu.memory_space<vmem>>[vector<16xi32>, vector<16xi32>], vector<16xf32>,
    %add3A_158 = arith.constant 3 : i32
    %add3A_159 = vector.broadcast %add3A_158 : i32 to vector<16xi32>
    %add3A_160 = arith.addi %broadcast_in_dim3A_149, %add3A_159 : vector<16xi32>
    %gather3A_161 = tpu.vector_load_idx %arg5[%add3A_147, %add3A_160] : memref<128x8xf32, #tpu.memory_space<vmem>>[vector<16xi32>, vector<16xi32>], vector<16xf32>,
    %add3A_162 = arith.constant 4 : i32
    %add3A_163 = vector.broadcast %add3A_162 : i32 to vector<16xi32>
    %add3A_164 = arith.addi %broadcast_in_dim3A_149, %add3A_163 : vector<16xi32>
    %gather3A_165 = tpu.vector_load_idx %arg5[%add3A_147, %add3A_164] : memref<128x8xf32, #tpu.memory_space<vmem>>[vector<16xi32>, vector<16xi32>], vector<16xf32>,
    %add3A_166 = arith.constant 5 : i32
    %add3A_167 = vector.broadcast %add3A_166 : i32 to vector<16xi32>
    %add3A_168 = arith.addi %broadcast_in_dim3A_149, %add3A_167 : vector<16xi32>
    %gather3A_169 = tpu.vector_load_idx %arg5[%add3A_147, %add3A_168] : memref<128x8xf32, #tpu.memory_space<vmem>>[vector<16xi32>, vector<16xi32>], vector<16xf32>,
    %convert_element_type3A = arith.fptosi %gather3A_153 : vector<16xf32> to vector<16xi32>
    %gather3A_170 = tpu.vector_load_idx %arg6[%convert_element_type3A] : memref<64xf32, #tpu.memory_space<vmem>>[vector<16xi32>], vector<16xf32>,
    %add3A_171 = arith.addf %gather3A_169, %gather3A_170 : vector<16xf32>
    %lt3A_172 = arith.constant 6.400000e+01 : f32
    %lt3A_173 = vector.broadcast %lt3A_172 : f32 to vector<16xf32>
    %lt3A_174 = arith.cmpf olt, %gather3A_165, %lt3A_173 : vector<16xf32>
    %lt3A_175 = arith.constant 6.400000e+01 : f32
    %lt3A_176 = vector.broadcast %lt3A_175 : f32 to vector<16xf32>
    %lt3A_177 = arith.cmpf olt, %add3A_171, %lt3A_176 : vector<16xf32>
    %mul3A_178 = arith.constant 6.400000e+01 : f32
    %mul3A_179 = vector.broadcast %mul3A_178 : f32 to vector<16xf32>
    %mul3A_180 = arith.mulf %gather3A, %mul3A_179 : vector<16xf32>
    %add3A_181 = arith.addf %mul3A_180, %gather3A_165 : vector<16xf32>
    %convert_element_type3A_182 = arith.fptosi %add3A_181 : vector<16xf32> to vector<16xi32>
    %mul3A_183 = arith.constant 6.400000e+01 : f32
    %mul3A_184 = vector.broadcast %mul3A_183 : f32 to vector<16xf32>
    %mul3A_185 = arith.mulf %gather3A_153, %mul3A_184 : vector<16xf32>
    %add3A_186 = arith.addf %mul3A_185, %add3A_171 : vector<16xf32>
    %convert_element_type3A_187 = arith.fptosi %add3A_186 : vector<16xf32> to vector<16xi32>
    %jit3A_188 = arith.constant 0 : i32
    %broadcast_in_dim3A_189 = vector.broadcast %jit3A_188 : i32 to vector<16xi32>
    %select_n3A_190 = arith.select %lt3A_174, %convert_element_type3A_182, %broadcast_in_dim3A_189 : vector<16xi1>, vector<16xi32>
    %jit3A_191 = arith.constant 0 : i32
    %broadcast_in_dim3A_192 = vector.broadcast %jit3A_191 : i32 to vector<16xi32>
    %select_n3A_193 = arith.select %lt3A_177, %convert_element_type3A_187, %broadcast_in_dim3A_192 : vector<16xi1>, vector<16xi32>
    tpu.vector_store_idx %arg7[%iota3A, %select_n3A_190], %gather3A_157 masked %lt3A_174 : memref<16x4096xf32, #tpu.memory_space<vmem>>[vector<16xi32>, vector<16xi32>], vector<16xf32>, vector<16xi1>
    tpu.vector_store_idx %arg7[%iota3A, %select_n3A_193], %gather3A_161 masked %lt3A_177 : memref<16x4096xf32, #tpu.memory_space<vmem>>[vector<16xi32>, vector<16xi32>], vector<16xf32>, vector<16xi1>
    %mul3A_194 = arith.constant 128 : i32
    %mul3A_195 = arith.muli %add3A, %mul3A_194 : i32
    %add3A_196 = arith.constant 0 : i32
    %add3A_197 = arith.addi %mul3A_195, %add3A_196 : i32
    "tpu.region"() ({
      %run_scoped3A_583 = tpu.sem_alloc : memref<!tpu.dma_semaphore, #tpu.memory_space<semaphore_mem>>
      %dma_start3A = arith.constant 0 : i32
      %dma_start3A_584 = tpu.memref_slice %arg4[%add3A_197, %dma_start3A] : memref<4096x4096xf32, #tpu.memory_space<hbm>> -> memref<16x4096xf32, #tpu.memory_space<hbm>>
      %dma_start3A_585 = arith.constant 0 : i32
      %dma_start3A_586 = tpu.memref_slice %arg4[%add3A_197, %dma_start3A_585] : memref<4096x4096xf32, #tpu.memory_space<hbm>> -> memref<16x4096xf32, #tpu.memory_space<hbm>>
      tpu.enqueue_dma source(%arg7 : memref<16x4096xf32, #tpu.memory_space<vmem>>) target(%dma_start3A_586 : memref<16x4096xf32, #tpu.memory_space<hbm>>) target_semaphore(%run_scoped3A_583 : memref<!tpu.dma_semaphore, #tpu.memory_space<semaphore_mem>>)
      %dma_wait3A = arith.constant 0 : i32
      %dma_wait3A_587 = tpu.memref_slice %arg4[%add3A_197, %dma_wait3A] : memref<4096x4096xf32, #tpu.memory_space<hbm>> -> memref<16x4096xf32, #tpu.memory_space<hbm>>
      %dma_wait3A_588 = arith.constant 0 : i32
      %dma_wait3A_589 = tpu.memref_slice %arg4[%add3A_197, %dma_wait3A_588] : memref<4096x4096xf32, #tpu.memory_space<hbm>> -> memref<16x4096xf32, #tpu.memory_space<hbm>>
      tpu.wait_dma2 semaphore(%run_scoped3A_583 : memref<!tpu.dma_semaphore, #tpu.memory_space<semaphore_mem>>) src(%arg7 : memref<16x4096xf32, #tpu.memory_space<vmem>>) dst(%dma_wait3A_589 : memref<16x4096xf32, #tpu.memory_space<hbm>>)
      tpu.yield
    }) : () -> ()
    tpu.vector_store_idx %arg7[%iota3A, %select_n3A_190], %broadcast_in_dim3A_144 masked %lt3A_174 : memref<16x4096xf32, #tpu.memory_space<vmem>>[vector<16xi32>, vector<16xi32>], vector<16xf32>, vector<16xi1>
    tpu.vector_store_idx %arg7[%iota3A, %select_n3A_193], %broadcast_in_dim3A_144 masked %lt3A_177 : memref<16x4096xf32, #tpu.memory_space<vmem>>[vector<16xi32>, vector<16xi32>], vector<16xf32>, vector<16xi1>
    %add3A_198 = arith.constant 16 : i32
    %add3A_199 = vector.broadcast %add3A_198 : i32 to vector<16xi32>
    %add3A_200 = arith.addi %iota3A, %add3A_199 : vector<16xi32>
    %broadcast_in_dim3A_201 = arith.constant 0 : i32
    %broadcast_in_dim3A_202 = vector.broadcast %broadcast_in_dim3A_201 : i32 to vector<16xi32>
    %gather3A_203 = tpu.vector_load_idx %arg5[%add3A_200, %broadcast_in_dim3A_202] : memref<128x8xf32, #tpu.memory_space<vmem>>[vector<16xi32>, vector<16xi32>], vector<16xf32>,
    %add3A_204 = arith.constant 1 : i32
    %add3A_205 = vector.broadcast %add3A_204 : i32 to vector<16xi32>
    %add3A_206 = arith.addi %broadcast_in_dim3A_202, %add3A_205 : vector<16xi32>
    %gather3A_207 = tpu.vector_load_idx %arg5[%add3A_200, %add3A_206] : memref<128x8xf32, #tpu.memory_space<vmem>>[vector<16xi32>, vector<16xi32>], vector<16xf32>,
    %add3A_208 = arith.constant 2 : i32
    %add3A_209 = vector.broadcast %add3A_208 : i32 to vector<16xi32>
    %add3A_210 = arith.addi %broadcast_in_dim3A_202, %add3A_209 : vector<16xi32>
    %gather3A_211 = tpu.vector_load_idx %arg5[%add3A_200, %add3A_210] : memref<128x8xf32, #tpu.memory_space<vmem>>[vector<16xi32>, vector<16xi32>], vector<16xf32>,
    %add3A_212 = arith.constant 3 : i32
    %add3A_213 = vector.broadcast %add3A_212 : i32 to vector<16xi32>
    %add3A_214 = arith.addi %broadcast_in_dim3A_202, %add3A_213 : vector<16xi32>
    %gather3A_215 = tpu.vector_load_idx %arg5[%add3A_200, %add3A_214] : memref<128x8xf32, #tpu.memory_space<vmem>>[vector<16xi32>, vector<16xi32>], vector<16xf32>,
    %add3A_216 = arith.constant 4 : i32
    %add3A_217 = vector.broadcast %add3A_216 : i32 to vector<16xi32>
    %add3A_218 = arith.addi %broadcast_in_dim3A_202, %add3A_217 : vector<16xi32>
    %gather3A_219 = tpu.vector_load_idx %arg5[%add3A_200, %add3A_218] : memref<128x8xf32, #tpu.memory_space<vmem>>[vector<16xi32>, vector<16xi32>], vector<16xf32>,
    %add3A_220 = arith.constant 5 : i32
    %add3A_221 = vector.broadcast %add3A_220 : i32 to vector<16xi32>
    %add3A_222 = arith.addi %broadcast_in_dim3A_202, %add3A_221 : vector<16xi32>
    %gather3A_223 = tpu.vector_load_idx %arg5[%add3A_200, %add3A_222] : memref<128x8xf32, #tpu.memory_space<vmem>>[vector<16xi32>, vector<16xi32>], vector<16xf32>,
    %convert_element_type3A_224 = arith.fptosi %gather3A_207 : vector<16xf32> to vector<16xi32>
    %gather3A_225 = tpu.vector_load_idx %arg6[%convert_element_type3A_224] : memref<64xf32, #tpu.memory_space<vmem>>[vector<16xi32>], vector<16xf32>,
    %add3A_226 = arith.addf %gather3A_223, %gather3A_225 : vector<16xf32>
    %lt3A_227 = arith.constant 6.400000e+01 : f32
    %lt3A_228 = vector.broadcast %lt3A_227 : f32 to vector<16xf32>
    %lt3A_229 = arith.cmpf olt, %gather3A_219, %lt3A_228 : vector<16xf32>
    %lt3A_230 = arith.constant 6.400000e+01 : f32
    %lt3A_231 = vector.broadcast %lt3A_230 : f32 to vector<16xf32>
    %lt3A_232 = arith.cmpf olt, %add3A_226, %lt3A_231 : vector<16xf32>
    %mul3A_233 = arith.constant 6.400000e+01 : f32
    %mul3A_234 = vector.broadcast %mul3A_233 : f32 to vector<16xf32>
    %mul3A_235 = arith.mulf %gather3A_203, %mul3A_234 : vector<16xf32>
    %add3A_236 = arith.addf %mul3A_235, %gather3A_219 : vector<16xf32>
    %convert_element_type3A_237 = arith.fptosi %add3A_236 : vector<16xf32> to vector<16xi32>
    %mul3A_238 = arith.constant 6.400000e+01 : f32
    %mul3A_239 = vector.broadcast %mul3A_238 : f32 to vector<16xf32>
    %mul3A_240 = arith.mulf %gather3A_207, %mul3A_239 : vector<16xf32>
    %add3A_241 = arith.addf %mul3A_240, %add3A_226 : vector<16xf32>
    %convert_element_type3A_242 = arith.fptosi %add3A_241 : vector<16xf32> to vector<16xi32>
    %jit3A_243 = arith.constant 0 : i32
    %broadcast_in_dim3A_244 = vector.broadcast %jit3A_243 : i32 to vector<16xi32>
    %select_n3A_245 = arith.select %lt3A_229, %convert_element_type3A_237, %broadcast_in_dim3A_244 : vector<16xi1>, vector<16xi32>
    %jit3A_246 = arith.constant 0 : i32
    %broadcast_in_dim3A_247 = vector.broadcast %jit3A_246 : i32 to vector<16xi32>
    %select_n3A_248 = arith.select %lt3A_232, %convert_element_type3A_242, %broadcast_in_dim3A_247 : vector<16xi1>, vector<16xi32>
    tpu.vector_store_idx %arg7[%iota3A, %select_n3A_245], %gather3A_211 masked %lt3A_229 : memref<16x4096xf32, #tpu.memory_space<vmem>>[vector<16xi32>, vector<16xi32>], vector<16xf32>, vector<16xi1>
    tpu.vector_store_idx %arg7[%iota3A, %select_n3A_248], %gather3A_215 masked %lt3A_232 : memref<16x4096xf32, #tpu.memory_space<vmem>>[vector<16xi32>, vector<16xi32>], vector<16xf32>, vector<16xi1>
    %mul3A_249 = arith.constant 128 : i32
    %mul3A_250 = arith.muli %add3A, %mul3A_249 : i32
    %add3A_251 = arith.constant 16 : i32
    %add3A_252 = arith.addi %mul3A_250, %add3A_251 : i32
    "tpu.region"() ({
      %run_scoped3A_583 = tpu.sem_alloc : memref<!tpu.dma_semaphore, #tpu.memory_space<semaphore_mem>>
      %dma_start3A = arith.constant 0 : i32
      %dma_start3A_584 = tpu.memref_slice %arg4[%add3A_252, %dma_start3A] : memref<4096x4096xf32, #tpu.memory_space<hbm>> -> memref<16x4096xf32, #tpu.memory_space<hbm>>
      %dma_start3A_585 = arith.constant 0 : i32
      %dma_start3A_586 = tpu.memref_slice %arg4[%add3A_252, %dma_start3A_585] : memref<4096x4096xf32, #tpu.memory_space<hbm>> -> memref<16x4096xf32, #tpu.memory_space<hbm>>
      tpu.enqueue_dma source(%arg7 : memref<16x4096xf32, #tpu.memory_space<vmem>>) target(%dma_start3A_586 : memref<16x4096xf32, #tpu.memory_space<hbm>>) target_semaphore(%run_scoped3A_583 : memref<!tpu.dma_semaphore, #tpu.memory_space<semaphore_mem>>)
      %dma_wait3A = arith.constant 0 : i32
      %dma_wait3A_587 = tpu.memref_slice %arg4[%add3A_252, %dma_wait3A] : memref<4096x4096xf32, #tpu.memory_space<hbm>> -> memref<16x4096xf32, #tpu.memory_space<hbm>>
      %dma_wait3A_588 = arith.constant 0 : i32
      %dma_wait3A_589 = tpu.memref_slice %arg4[%add3A_252, %dma_wait3A_588] : memref<4096x4096xf32, #tpu.memory_space<hbm>> -> memref<16x4096xf32, #tpu.memory_space<hbm>>
      tpu.wait_dma2 semaphore(%run_scoped3A_583 : memref<!tpu.dma_semaphore, #tpu.memory_space<semaphore_mem>>) src(%arg7 : memref<16x4096xf32, #tpu.memory_space<vmem>>) dst(%dma_wait3A_589 : memref<16x4096xf32, #tpu.memory_space<hbm>>)
      tpu.yield
    }) : () -> ()
    tpu.vector_store_idx %arg7[%iota3A, %select_n3A_245], %broadcast_in_dim3A_144 masked %lt3A_229 : memref<16x4096xf32, #tpu.memory_space<vmem>>[vector<16xi32>, vector<16xi32>], vector<16xf32>, vector<16xi1>
    tpu.vector_store_idx %arg7[%iota3A, %select_n3A_248], %broadcast_in_dim3A_144 masked %lt3A_232 : memref<16x4096xf32, #tpu.memory_space<vmem>>[vector<16xi32>, vector<16xi32>], vector<16xf32>, vector<16xi1>
    %add3A_253 = arith.constant 32 : i32
    %add3A_254 = vector.broadcast %add3A_253 : i32 to vector<16xi32>
    %add3A_255 = arith.addi %iota3A, %add3A_254 : vector<16xi32>
    %broadcast_in_dim3A_256 = arith.constant 0 : i32
    %broadcast_in_dim3A_257 = vector.broadcast %broadcast_in_dim3A_256 : i32 to vector<16xi32>
    %gather3A_258 = tpu.vector_load_idx %arg5[%add3A_255, %broadcast_in_dim3A_257] : memref<128x8xf32, #tpu.memory_space<vmem>>[vector<16xi32>, vector<16xi32>], vector<16xf32>,
    %add3A_259 = arith.constant 1 : i32
    %add3A_260 = vector.broadcast %add3A_259 : i32 to vector<16xi32>
    %add3A_261 = arith.addi %broadcast_in_dim3A_257, %add3A_260 : vector<16xi32>
    %gather3A_262 = tpu.vector_load_idx %arg5[%add3A_255, %add3A_261] : memref<128x8xf32, #tpu.memory_space<vmem>>[vector<16xi32>, vector<16xi32>], vector<16xf32>,
    %add3A_263 = arith.constant 2 : i32
    %add3A_264 = vector.broadcast %add3A_263 : i32 to vector<16xi32>
    %add3A_265 = arith.addi %broadcast_in_dim3A_257, %add3A_264 : vector<16xi32>
    %gather3A_266 = tpu.vector_load_idx %arg5[%add3A_255, %add3A_265] : memref<128x8xf32, #tpu.memory_space<vmem>>[vector<16xi32>, vector<16xi32>], vector<16xf32>,
    %add3A_267 = arith.constant 3 : i32
    %add3A_268 = vector.broadcast %add3A_267 : i32 to vector<16xi32>
    %add3A_269 = arith.addi %broadcast_in_dim3A_257, %add3A_268 : vector<16xi32>
    %gather3A_270 = tpu.vector_load_idx %arg5[%add3A_255, %add3A_269] : memref<128x8xf32, #tpu.memory_space<vmem>>[vector<16xi32>, vector<16xi32>], vector<16xf32>,
    %add3A_271 = arith.constant 4 : i32
    %add3A_272 = vector.broadcast %add3A_271 : i32 to vector<16xi32>
    %add3A_273 = arith.addi %broadcast_in_dim3A_257, %add3A_272 : vector<16xi32>
    %gather3A_274 = tpu.vector_load_idx %arg5[%add3A_255, %add3A_273] : memref<128x8xf32, #tpu.memory_space<vmem>>[vector<16xi32>, vector<16xi32>], vector<16xf32>,
    %add3A_275 = arith.constant 5 : i32
    %add3A_276 = vector.broadcast %add3A_275 : i32 to vector<16xi32>
    %add3A_277 = arith.addi %broadcast_in_dim3A_257, %add3A_276 : vector<16xi32>
    %gather3A_278 = tpu.vector_load_idx %arg5[%add3A_255, %add3A_277] : memref<128x8xf32, #tpu.memory_space<vmem>>[vector<16xi32>, vector<16xi32>], vector<16xf32>,
    %convert_element_type3A_279 = arith.fptosi %gather3A_262 : vector<16xf32> to vector<16xi32>
    %gather3A_280 = tpu.vector_load_idx %arg6[%convert_element_type3A_279] : memref<64xf32, #tpu.memory_space<vmem>>[vector<16xi32>], vector<16xf32>,
    %add3A_281 = arith.addf %gather3A_278, %gather3A_280 : vector<16xf32>
    %lt3A_282 = arith.constant 6.400000e+01 : f32
    %lt3A_283 = vector.broadcast %lt3A_282 : f32 to vector<16xf32>
    %lt3A_284 = arith.cmpf olt, %gather3A_274, %lt3A_283 : vector<16xf32>
    %lt3A_285 = arith.constant 6.400000e+01 : f32
    %lt3A_286 = vector.broadcast %lt3A_285 : f32 to vector<16xf32>
    %lt3A_287 = arith.cmpf olt, %add3A_281, %lt3A_286 : vector<16xf32>
    %mul3A_288 = arith.constant 6.400000e+01 : f32
    %mul3A_289 = vector.broadcast %mul3A_288 : f32 to vector<16xf32>
    %mul3A_290 = arith.mulf %gather3A_258, %mul3A_289 : vector<16xf32>
    %add3A_291 = arith.addf %mul3A_290, %gather3A_274 : vector<16xf32>
    %convert_element_type3A_292 = arith.fptosi %add3A_291 : vector<16xf32> to vector<16xi32>
    %mul3A_293 = arith.constant 6.400000e+01 : f32
    %mul3A_294 = vector.broadcast %mul3A_293 : f32 to vector<16xf32>
    %mul3A_295 = arith.mulf %gather3A_262, %mul3A_294 : vector<16xf32>
    %add3A_296 = arith.addf %mul3A_295, %add3A_281 : vector<16xf32>
    %convert_element_type3A_297 = arith.fptosi %add3A_296 : vector<16xf32> to vector<16xi32>
    %jit3A_298 = arith.constant 0 : i32
    %broadcast_in_dim3A_299 = vector.broadcast %jit3A_298 : i32 to vector<16xi32>
    %select_n3A_300 = arith.select %lt3A_284, %convert_element_type3A_292, %broadcast_in_dim3A_299 : vector<16xi1>, vector<16xi32>
    %jit3A_301 = arith.constant 0 : i32
    %broadcast_in_dim3A_302 = vector.broadcast %jit3A_301 : i32 to vector<16xi32>
    %select_n3A_303 = arith.select %lt3A_287, %convert_element_type3A_297, %broadcast_in_dim3A_302 : vector<16xi1>, vector<16xi32>
    tpu.vector_store_idx %arg7[%iota3A, %select_n3A_300], %gather3A_266 masked %lt3A_284 : memref<16x4096xf32, #tpu.memory_space<vmem>>[vector<16xi32>, vector<16xi32>], vector<16xf32>, vector<16xi1>
    tpu.vector_store_idx %arg7[%iota3A, %select_n3A_303], %gather3A_270 masked %lt3A_287 : memref<16x4096xf32, #tpu.memory_space<vmem>>[vector<16xi32>, vector<16xi32>], vector<16xf32>, vector<16xi1>
    %mul3A_304 = arith.constant 128 : i32
    %mul3A_305 = arith.muli %add3A, %mul3A_304 : i32
    %add3A_306 = arith.constant 32 : i32
    %add3A_307 = arith.addi %mul3A_305, %add3A_306 : i32
    "tpu.region"() ({
      %run_scoped3A_583 = tpu.sem_alloc : memref<!tpu.dma_semaphore, #tpu.memory_space<semaphore_mem>>
      %dma_start3A = arith.constant 0 : i32
      %dma_start3A_584 = tpu.memref_slice %arg4[%add3A_307, %dma_start3A] : memref<4096x4096xf32, #tpu.memory_space<hbm>> -> memref<16x4096xf32, #tpu.memory_space<hbm>>
      %dma_start3A_585 = arith.constant 0 : i32
      %dma_start3A_586 = tpu.memref_slice %arg4[%add3A_307, %dma_start3A_585] : memref<4096x4096xf32, #tpu.memory_space<hbm>> -> memref<16x4096xf32, #tpu.memory_space<hbm>>
      tpu.enqueue_dma source(%arg7 : memref<16x4096xf32, #tpu.memory_space<vmem>>) target(%dma_start3A_586 : memref<16x4096xf32, #tpu.memory_space<hbm>>) target_semaphore(%run_scoped3A_583 : memref<!tpu.dma_semaphore, #tpu.memory_space<semaphore_mem>>)
      %dma_wait3A = arith.constant 0 : i32
      %dma_wait3A_587 = tpu.memref_slice %arg4[%add3A_307, %dma_wait3A] : memref<4096x4096xf32, #tpu.memory_space<hbm>> -> memref<16x4096xf32, #tpu.memory_space<hbm>>
      %dma_wait3A_588 = arith.constant 0 : i32
      %dma_wait3A_589 = tpu.memref_slice %arg4[%add3A_307, %dma_wait3A_588] : memref<4096x4096xf32, #tpu.memory_space<hbm>> -> memref<16x4096xf32, #tpu.memory_space<hbm>>
      tpu.wait_dma2 semaphore(%run_scoped3A_583 : memref<!tpu.dma_semaphore, #tpu.memory_space<semaphore_mem>>) src(%arg7 : memref<16x4096xf32, #tpu.memory_space<vmem>>) dst(%dma_wait3A_589 : memref<16x4096xf32, #tpu.memory_space<hbm>>)
      tpu.yield
    }) : () -> ()
    tpu.vector_store_idx %arg7[%iota3A, %select_n3A_300], %broadcast_in_dim3A_144 masked %lt3A_284 : memref<16x4096xf32, #tpu.memory_space<vmem>>[vector<16xi32>, vector<16xi32>], vector<16xf32>, vector<16xi1>
    tpu.vector_store_idx %arg7[%iota3A, %select_n3A_303], %broadcast_in_dim3A_144 masked %lt3A_287 : memref<16x4096xf32, #tpu.memory_space<vmem>>[vector<16xi32>, vector<16xi32>], vector<16xf32>, vector<16xi1>
    %add3A_308 = arith.constant 48 : i32
    %add3A_309 = vector.broadcast %add3A_308 : i32 to vector<16xi32>
    %add3A_310 = arith.addi %iota3A, %add3A_309 : vector<16xi32>
    %broadcast_in_dim3A_311 = arith.constant 0 : i32
    %broadcast_in_dim3A_312 = vector.broadcast %broadcast_in_dim3A_311 : i32 to vector<16xi32>
    %gather3A_313 = tpu.vector_load_idx %arg5[%add3A_310, %broadcast_in_dim3A_312] : memref<128x8xf32, #tpu.memory_space<vmem>>[vector<16xi32>, vector<16xi32>], vector<16xf32>,
    %add3A_314 = arith.constant 1 : i32
    %add3A_315 = vector.broadcast %add3A_314 : i32 to vector<16xi32>
    %add3A_316 = arith.addi %broadcast_in_dim3A_312, %add3A_315 : vector<16xi32>
    %gather3A_317 = tpu.vector_load_idx %arg5[%add3A_310, %add3A_316] : memref<128x8xf32, #tpu.memory_space<vmem>>[vector<16xi32>, vector<16xi32>], vector<16xf32>,
    %add3A_318 = arith.constant 2 : i32
    %add3A_319 = vector.broadcast %add3A_318 : i32 to vector<16xi32>
    %add3A_320 = arith.addi %broadcast_in_dim3A_312, %add3A_319 : vector<16xi32>
    %gather3A_321 = tpu.vector_load_idx %arg5[%add3A_310, %add3A_320] : memref<128x8xf32, #tpu.memory_space<vmem>>[vector<16xi32>, vector<16xi32>], vector<16xf32>,
    %add3A_322 = arith.constant 3 : i32
    %add3A_323 = vector.broadcast %add3A_322 : i32 to vector<16xi32>
    %add3A_324 = arith.addi %broadcast_in_dim3A_312, %add3A_323 : vector<16xi32>
    %gather3A_325 = tpu.vector_load_idx %arg5[%add3A_310, %add3A_324] : memref<128x8xf32, #tpu.memory_space<vmem>>[vector<16xi32>, vector<16xi32>], vector<16xf32>,
    %add3A_326 = arith.constant 4 : i32
    %add3A_327 = vector.broadcast %add3A_326 : i32 to vector<16xi32>
    %add3A_328 = arith.addi %broadcast_in_dim3A_312, %add3A_327 : vector<16xi32>
    %gather3A_329 = tpu.vector_load_idx %arg5[%add3A_310, %add3A_328] : memref<128x8xf32, #tpu.memory_space<vmem>>[vector<16xi32>, vector<16xi32>], vector<16xf32>,
    %add3A_330 = arith.constant 5 : i32
    %add3A_331 = vector.broadcast %add3A_330 : i32 to vector<16xi32>
    %add3A_332 = arith.addi %broadcast_in_dim3A_312, %add3A_331 : vector<16xi32>
    %gather3A_333 = tpu.vector_load_idx %arg5[%add3A_310, %add3A_332] : memref<128x8xf32, #tpu.memory_space<vmem>>[vector<16xi32>, vector<16xi32>], vector<16xf32>,
    %convert_element_type3A_334 = arith.fptosi %gather3A_317 : vector<16xf32> to vector<16xi32>
    %gather3A_335 = tpu.vector_load_idx %arg6[%convert_element_type3A_334] : memref<64xf32, #tpu.memory_space<vmem>>[vector<16xi32>], vector<16xf32>,
    %add3A_336 = arith.addf %gather3A_333, %gather3A_335 : vector<16xf32>
    %lt3A_337 = arith.constant 6.400000e+01 : f32
    %lt3A_338 = vector.broadcast %lt3A_337 : f32 to vector<16xf32>
    %lt3A_339 = arith.cmpf olt, %gather3A_329, %lt3A_338 : vector<16xf32>
    %lt3A_340 = arith.constant 6.400000e+01 : f32
    %lt3A_341 = vector.broadcast %lt3A_340 : f32 to vector<16xf32>
    %lt3A_342 = arith.cmpf olt, %add3A_336, %lt3A_341 : vector<16xf32>
    %mul3A_343 = arith.constant 6.400000e+01 : f32
    %mul3A_344 = vector.broadcast %mul3A_343 : f32 to vector<16xf32>
    %mul3A_345 = arith.mulf %gather3A_313, %mul3A_344 : vector<16xf32>
    %add3A_346 = arith.addf %mul3A_345, %gather3A_329 : vector<16xf32>
    %convert_element_type3A_347 = arith.fptosi %add3A_346 : vector<16xf32> to vector<16xi32>
    %mul3A_348 = arith.constant 6.400000e+01 : f32
    %mul3A_349 = vector.broadcast %mul3A_348 : f32 to vector<16xf32>
    %mul3A_350 = arith.mulf %gather3A_317, %mul3A_349 : vector<16xf32>
    %add3A_351 = arith.addf %mul3A_350, %add3A_336 : vector<16xf32>
    %convert_element_type3A_352 = arith.fptosi %add3A_351 : vector<16xf32> to vector<16xi32>
    %jit3A_353 = arith.constant 0 : i32
    %broadcast_in_dim3A_354 = vector.broadcast %jit3A_353 : i32 to vector<16xi32>
    %select_n3A_355 = arith.select %lt3A_339, %convert_element_type3A_347, %broadcast_in_dim3A_354 : vector<16xi1>, vector<16xi32>
    %jit3A_356 = arith.constant 0 : i32
    %broadcast_in_dim3A_357 = vector.broadcast %jit3A_356 : i32 to vector<16xi32>
    %select_n3A_358 = arith.select %lt3A_342, %convert_element_type3A_352, %broadcast_in_dim3A_357 : vector<16xi1>, vector<16xi32>
    tpu.vector_store_idx %arg7[%iota3A, %select_n3A_355], %gather3A_321 masked %lt3A_339 : memref<16x4096xf32, #tpu.memory_space<vmem>>[vector<16xi32>, vector<16xi32>], vector<16xf32>, vector<16xi1>
    tpu.vector_store_idx %arg7[%iota3A, %select_n3A_358], %gather3A_325 masked %lt3A_342 : memref<16x4096xf32, #tpu.memory_space<vmem>>[vector<16xi32>, vector<16xi32>], vector<16xf32>, vector<16xi1>
    %mul3A_359 = arith.constant 128 : i32
    %mul3A_360 = arith.muli %add3A, %mul3A_359 : i32
    %add3A_361 = arith.constant 48 : i32
    %add3A_362 = arith.addi %mul3A_360, %add3A_361 : i32
    "tpu.region"() ({
      %run_scoped3A_583 = tpu.sem_alloc : memref<!tpu.dma_semaphore, #tpu.memory_space<semaphore_mem>>
      %dma_start3A = arith.constant 0 : i32
      %dma_start3A_584 = tpu.memref_slice %arg4[%add3A_362, %dma_start3A] : memref<4096x4096xf32, #tpu.memory_space<hbm>> -> memref<16x4096xf32, #tpu.memory_space<hbm>>
      %dma_start3A_585 = arith.constant 0 : i32
      %dma_start3A_586 = tpu.memref_slice %arg4[%add3A_362, %dma_start3A_585] : memref<4096x4096xf32, #tpu.memory_space<hbm>> -> memref<16x4096xf32, #tpu.memory_space<hbm>>
      tpu.enqueue_dma source(%arg7 : memref<16x4096xf32, #tpu.memory_space<vmem>>) target(%dma_start3A_586 : memref<16x4096xf32, #tpu.memory_space<hbm>>) target_semaphore(%run_scoped3A_583 : memref<!tpu.dma_semaphore, #tpu.memory_space<semaphore_mem>>)
      %dma_wait3A = arith.constant 0 : i32
      %dma_wait3A_587 = tpu.memref_slice %arg4[%add3A_362, %dma_wait3A] : memref<4096x4096xf32, #tpu.memory_space<hbm>> -> memref<16x4096xf32, #tpu.memory_space<hbm>>
      %dma_wait3A_588 = arith.constant 0 : i32
      %dma_wait3A_589 = tpu.memref_slice %arg4[%add3A_362, %dma_wait3A_588] : memref<4096x4096xf32, #tpu.memory_space<hbm>> -> memref<16x4096xf32, #tpu.memory_space<hbm>>
      tpu.wait_dma2 semaphore(%run_scoped3A_583 : memref<!tpu.dma_semaphore, #tpu.memory_space<semaphore_mem>>) src(%arg7 : memref<16x4096xf32, #tpu.memory_space<vmem>>) dst(%dma_wait3A_589 : memref<16x4096xf32, #tpu.memory_space<hbm>>)
      tpu.yield
    }) : () -> ()
    tpu.vector_store_idx %arg7[%iota3A, %select_n3A_355], %broadcast_in_dim3A_144 masked %lt3A_339 : memref<16x4096xf32, #tpu.memory_space<vmem>>[vector<16xi32>, vector<16xi32>], vector<16xf32>, vector<16xi1>
    tpu.vector_store_idx %arg7[%iota3A, %select_n3A_358], %broadcast_in_dim3A_144 masked %lt3A_342 : memref<16x4096xf32, #tpu.memory_space<vmem>>[vector<16xi32>, vector<16xi32>], vector<16xf32>, vector<16xi1>
    %add3A_363 = arith.constant 64 : i32
    %add3A_364 = vector.broadcast %add3A_363 : i32 to vector<16xi32>
    %add3A_365 = arith.addi %iota3A, %add3A_364 : vector<16xi32>
    %broadcast_in_dim3A_366 = arith.constant 0 : i32
    %broadcast_in_dim3A_367 = vector.broadcast %broadcast_in_dim3A_366 : i32 to vector<16xi32>
    %gather3A_368 = tpu.vector_load_idx %arg5[%add3A_365, %broadcast_in_dim3A_367] : memref<128x8xf32, #tpu.memory_space<vmem>>[vector<16xi32>, vector<16xi32>], vector<16xf32>,
    %add3A_369 = arith.constant 1 : i32
    %add3A_370 = vector.broadcast %add3A_369 : i32 to vector<16xi32>
    %add3A_371 = arith.addi %broadcast_in_dim3A_367, %add3A_370 : vector<16xi32>
    %gather3A_372 = tpu.vector_load_idx %arg5[%add3A_365, %add3A_371] : memref<128x8xf32, #tpu.memory_space<vmem>>[vector<16xi32>, vector<16xi32>], vector<16xf32>,
    %add3A_373 = arith.constant 2 : i32
    %add3A_374 = vector.broadcast %add3A_373 : i32 to vector<16xi32>
    %add3A_375 = arith.addi %broadcast_in_dim3A_367, %add3A_374 : vector<16xi32>
    %gather3A_376 = tpu.vector_load_idx %arg5[%add3A_365, %add3A_375] : memref<128x8xf32, #tpu.memory_space<vmem>>[vector<16xi32>, vector<16xi32>], vector<16xf32>,
    %add3A_377 = arith.constant 3 : i32
    %add3A_378 = vector.broadcast %add3A_377 : i32 to vector<16xi32>
    %add3A_379 = arith.addi %broadcast_in_dim3A_367, %add3A_378 : vector<16xi32>
    %gather3A_380 = tpu.vector_load_idx %arg5[%add3A_365, %add3A_379] : memref<128x8xf32, #tpu.memory_space<vmem>>[vector<16xi32>, vector<16xi32>], vector<16xf32>,
    %add3A_381 = arith.constant 4 : i32
    %add3A_382 = vector.broadcast %add3A_381 : i32 to vector<16xi32>
    %add3A_383 = arith.addi %broadcast_in_dim3A_367, %add3A_382 : vector<16xi32>
    %gather3A_384 = tpu.vector_load_idx %arg5[%add3A_365, %add3A_383] : memref<128x8xf32, #tpu.memory_space<vmem>>[vector<16xi32>, vector<16xi32>], vector<16xf32>,
    %add3A_385 = arith.constant 5 : i32
    %add3A_386 = vector.broadcast %add3A_385 : i32 to vector<16xi32>
    %add3A_387 = arith.addi %broadcast_in_dim3A_367, %add3A_386 : vector<16xi32>
    %gather3A_388 = tpu.vector_load_idx %arg5[%add3A_365, %add3A_387] : memref<128x8xf32, #tpu.memory_space<vmem>>[vector<16xi32>, vector<16xi32>], vector<16xf32>,
    %convert_element_type3A_389 = arith.fptosi %gather3A_372 : vector<16xf32> to vector<16xi32>
    %gather3A_390 = tpu.vector_load_idx %arg6[%convert_element_type3A_389] : memref<64xf32, #tpu.memory_space<vmem>>[vector<16xi32>], vector<16xf32>,
    %add3A_391 = arith.addf %gather3A_388, %gather3A_390 : vector<16xf32>
    %lt3A_392 = arith.constant 6.400000e+01 : f32
    %lt3A_393 = vector.broadcast %lt3A_392 : f32 to vector<16xf32>
    %lt3A_394 = arith.cmpf olt, %gather3A_384, %lt3A_393 : vector<16xf32>
    %lt3A_395 = arith.constant 6.400000e+01 : f32
    %lt3A_396 = vector.broadcast %lt3A_395 : f32 to vector<16xf32>
    %lt3A_397 = arith.cmpf olt, %add3A_391, %lt3A_396 : vector<16xf32>
    %mul3A_398 = arith.constant 6.400000e+01 : f32
    %mul3A_399 = vector.broadcast %mul3A_398 : f32 to vector<16xf32>
    %mul3A_400 = arith.mulf %gather3A_368, %mul3A_399 : vector<16xf32>
    %add3A_401 = arith.addf %mul3A_400, %gather3A_384 : vector<16xf32>
    %convert_element_type3A_402 = arith.fptosi %add3A_401 : vector<16xf32> to vector<16xi32>
    %mul3A_403 = arith.constant 6.400000e+01 : f32
    %mul3A_404 = vector.broadcast %mul3A_403 : f32 to vector<16xf32>
    %mul3A_405 = arith.mulf %gather3A_372, %mul3A_404 : vector<16xf32>
    %add3A_406 = arith.addf %mul3A_405, %add3A_391 : vector<16xf32>
    %convert_element_type3A_407 = arith.fptosi %add3A_406 : vector<16xf32> to vector<16xi32>
    %jit3A_408 = arith.constant 0 : i32
    %broadcast_in_dim3A_409 = vector.broadcast %jit3A_408 : i32 to vector<16xi32>
    %select_n3A_410 = arith.select %lt3A_394, %convert_element_type3A_402, %broadcast_in_dim3A_409 : vector<16xi1>, vector<16xi32>
    %jit3A_411 = arith.constant 0 : i32
    %broadcast_in_dim3A_412 = vector.broadcast %jit3A_411 : i32 to vector<16xi32>
    %select_n3A_413 = arith.select %lt3A_397, %convert_element_type3A_407, %broadcast_in_dim3A_412 : vector<16xi1>, vector<16xi32>
    tpu.vector_store_idx %arg7[%iota3A, %select_n3A_410], %gather3A_376 masked %lt3A_394 : memref<16x4096xf32, #tpu.memory_space<vmem>>[vector<16xi32>, vector<16xi32>], vector<16xf32>, vector<16xi1>
    tpu.vector_store_idx %arg7[%iota3A, %select_n3A_413], %gather3A_380 masked %lt3A_397 : memref<16x4096xf32, #tpu.memory_space<vmem>>[vector<16xi32>, vector<16xi32>], vector<16xf32>, vector<16xi1>
    %mul3A_414 = arith.constant 128 : i32
    %mul3A_415 = arith.muli %add3A, %mul3A_414 : i32
    %add3A_416 = arith.constant 64 : i32
    %add3A_417 = arith.addi %mul3A_415, %add3A_416 : i32
    "tpu.region"() ({
      %run_scoped3A_583 = tpu.sem_alloc : memref<!tpu.dma_semaphore, #tpu.memory_space<semaphore_mem>>
      %dma_start3A = arith.constant 0 : i32
      %dma_start3A_584 = tpu.memref_slice %arg4[%add3A_417, %dma_start3A] : memref<4096x4096xf32, #tpu.memory_space<hbm>> -> memref<16x4096xf32, #tpu.memory_space<hbm>>
      %dma_start3A_585 = arith.constant 0 : i32
      %dma_start3A_586 = tpu.memref_slice %arg4[%add3A_417, %dma_start3A_585] : memref<4096x4096xf32, #tpu.memory_space<hbm>> -> memref<16x4096xf32, #tpu.memory_space<hbm>>
      tpu.enqueue_dma source(%arg7 : memref<16x4096xf32, #tpu.memory_space<vmem>>) target(%dma_start3A_586 : memref<16x4096xf32, #tpu.memory_space<hbm>>) target_semaphore(%run_scoped3A_583 : memref<!tpu.dma_semaphore, #tpu.memory_space<semaphore_mem>>)
      %dma_wait3A = arith.constant 0 : i32
      %dma_wait3A_587 = tpu.memref_slice %arg4[%add3A_417, %dma_wait3A] : memref<4096x4096xf32, #tpu.memory_space<hbm>> -> memref<16x4096xf32, #tpu.memory_space<hbm>>
      %dma_wait3A_588 = arith.constant 0 : i32
      %dma_wait3A_589 = tpu.memref_slice %arg4[%add3A_417, %dma_wait3A_588] : memref<4096x4096xf32, #tpu.memory_space<hbm>> -> memref<16x4096xf32, #tpu.memory_space<hbm>>
      tpu.wait_dma2 semaphore(%run_scoped3A_583 : memref<!tpu.dma_semaphore, #tpu.memory_space<semaphore_mem>>) src(%arg7 : memref<16x4096xf32, #tpu.memory_space<vmem>>) dst(%dma_wait3A_589 : memref<16x4096xf32, #tpu.memory_space<hbm>>)
      tpu.yield
    }) : () -> ()
    tpu.vector_store_idx %arg7[%iota3A, %select_n3A_410], %broadcast_in_dim3A_144 masked %lt3A_394 : memref<16x4096xf32, #tpu.memory_space<vmem>>[vector<16xi32>, vector<16xi32>], vector<16xf32>, vector<16xi1>
    tpu.vector_store_idx %arg7[%iota3A, %select_n3A_413], %broadcast_in_dim3A_144 masked %lt3A_397 : memref<16x4096xf32, #tpu.memory_space<vmem>>[vector<16xi32>, vector<16xi32>], vector<16xf32>, vector<16xi1>
    %add3A_418 = arith.constant 80 : i32
    %add3A_419 = vector.broadcast %add3A_418 : i32 to vector<16xi32>
    %add3A_420 = arith.addi %iota3A, %add3A_419 : vector<16xi32>
    %broadcast_in_dim3A_421 = arith.constant 0 : i32
    %broadcast_in_dim3A_422 = vector.broadcast %broadcast_in_dim3A_421 : i32 to vector<16xi32>
    %gather3A_423 = tpu.vector_load_idx %arg5[%add3A_420, %broadcast_in_dim3A_422] : memref<128x8xf32, #tpu.memory_space<vmem>>[vector<16xi32>, vector<16xi32>], vector<16xf32>,
    %add3A_424 = arith.constant 1 : i32
    %add3A_425 = vector.broadcast %add3A_424 : i32 to vector<16xi32>
    %add3A_426 = arith.addi %broadcast_in_dim3A_422, %add3A_425 : vector<16xi32>
    %gather3A_427 = tpu.vector_load_idx %arg5[%add3A_420, %add3A_426] : memref<128x8xf32, #tpu.memory_space<vmem>>[vector<16xi32>, vector<16xi32>], vector<16xf32>,
    %add3A_428 = arith.constant 2 : i32
    %add3A_429 = vector.broadcast %add3A_428 : i32 to vector<16xi32>
    %add3A_430 = arith.addi %broadcast_in_dim3A_422, %add3A_429 : vector<16xi32>
    %gather3A_431 = tpu.vector_load_idx %arg5[%add3A_420, %add3A_430] : memref<128x8xf32, #tpu.memory_space<vmem>>[vector<16xi32>, vector<16xi32>], vector<16xf32>,
    %add3A_432 = arith.constant 3 : i32
    %add3A_433 = vector.broadcast %add3A_432 : i32 to vector<16xi32>
    %add3A_434 = arith.addi %broadcast_in_dim3A_422, %add3A_433 : vector<16xi32>
    %gather3A_435 = tpu.vector_load_idx %arg5[%add3A_420, %add3A_434] : memref<128x8xf32, #tpu.memory_space<vmem>>[vector<16xi32>, vector<16xi32>], vector<16xf32>,
    %add3A_436 = arith.constant 4 : i32
    %add3A_437 = vector.broadcast %add3A_436 : i32 to vector<16xi32>
    %add3A_438 = arith.addi %broadcast_in_dim3A_422, %add3A_437 : vector<16xi32>
    %gather3A_439 = tpu.vector_load_idx %arg5[%add3A_420, %add3A_438] : memref<128x8xf32, #tpu.memory_space<vmem>>[vector<16xi32>, vector<16xi32>], vector<16xf32>,
    %add3A_440 = arith.constant 5 : i32
    %add3A_441 = vector.broadcast %add3A_440 : i32 to vector<16xi32>
    %add3A_442 = arith.addi %broadcast_in_dim3A_422, %add3A_441 : vector<16xi32>
    %gather3A_443 = tpu.vector_load_idx %arg5[%add3A_420, %add3A_442] : memref<128x8xf32, #tpu.memory_space<vmem>>[vector<16xi32>, vector<16xi32>], vector<16xf32>,
    %convert_element_type3A_444 = arith.fptosi %gather3A_427 : vector<16xf32> to vector<16xi32>
    %gather3A_445 = tpu.vector_load_idx %arg6[%convert_element_type3A_444] : memref<64xf32, #tpu.memory_space<vmem>>[vector<16xi32>], vector<16xf32>,
    %add3A_446 = arith.addf %gather3A_443, %gather3A_445 : vector<16xf32>
    %lt3A_447 = arith.constant 6.400000e+01 : f32
    %lt3A_448 = vector.broadcast %lt3A_447 : f32 to vector<16xf32>
    %lt3A_449 = arith.cmpf olt, %gather3A_439, %lt3A_448 : vector<16xf32>
    %lt3A_450 = arith.constant 6.400000e+01 : f32
    %lt3A_451 = vector.broadcast %lt3A_450 : f32 to vector<16xf32>
    %lt3A_452 = arith.cmpf olt, %add3A_446, %lt3A_451 : vector<16xf32>
    %mul3A_453 = arith.constant 6.400000e+01 : f32
    %mul3A_454 = vector.broadcast %mul3A_453 : f32 to vector<16xf32>
    %mul3A_455 = arith.mulf %gather3A_423, %mul3A_454 : vector<16xf32>
    %add3A_456 = arith.addf %mul3A_455, %gather3A_439 : vector<16xf32>
    %convert_element_type3A_457 = arith.fptosi %add3A_456 : vector<16xf32> to vector<16xi32>
    %mul3A_458 = arith.constant 6.400000e+01 : f32
    %mul3A_459 = vector.broadcast %mul3A_458 : f32 to vector<16xf32>
    %mul3A_460 = arith.mulf %gather3A_427, %mul3A_459 : vector<16xf32>
    %add3A_461 = arith.addf %mul3A_460, %add3A_446 : vector<16xf32>
    %convert_element_type3A_462 = arith.fptosi %add3A_461 : vector<16xf32> to vector<16xi32>
    %jit3A_463 = arith.constant 0 : i32
    %broadcast_in_dim3A_464 = vector.broadcast %jit3A_463 : i32 to vector<16xi32>
    %select_n3A_465 = arith.select %lt3A_449, %convert_element_type3A_457, %broadcast_in_dim3A_464 : vector<16xi1>, vector<16xi32>
    %jit3A_466 = arith.constant 0 : i32
    %broadcast_in_dim3A_467 = vector.broadcast %jit3A_466 : i32 to vector<16xi32>
    %select_n3A_468 = arith.select %lt3A_452, %convert_element_type3A_462, %broadcast_in_dim3A_467 : vector<16xi1>, vector<16xi32>
    tpu.vector_store_idx %arg7[%iota3A, %select_n3A_465], %gather3A_431 masked %lt3A_449 : memref<16x4096xf32, #tpu.memory_space<vmem>>[vector<16xi32>, vector<16xi32>], vector<16xf32>, vector<16xi1>
    tpu.vector_store_idx %arg7[%iota3A, %select_n3A_468], %gather3A_435 masked %lt3A_452 : memref<16x4096xf32, #tpu.memory_space<vmem>>[vector<16xi32>, vector<16xi32>], vector<16xf32>, vector<16xi1>
    %mul3A_469 = arith.constant 128 : i32
    %mul3A_470 = arith.muli %add3A, %mul3A_469 : i32
    %add3A_471 = arith.constant 80 : i32
    %add3A_472 = arith.addi %mul3A_470, %add3A_471 : i32
    "tpu.region"() ({
      %run_scoped3A_583 = tpu.sem_alloc : memref<!tpu.dma_semaphore, #tpu.memory_space<semaphore_mem>>
      %dma_start3A = arith.constant 0 : i32
      %dma_start3A_584 = tpu.memref_slice %arg4[%add3A_472, %dma_start3A] : memref<4096x4096xf32, #tpu.memory_space<hbm>> -> memref<16x4096xf32, #tpu.memory_space<hbm>>
      %dma_start3A_585 = arith.constant 0 : i32
      %dma_start3A_586 = tpu.memref_slice %arg4[%add3A_472, %dma_start3A_585] : memref<4096x4096xf32, #tpu.memory_space<hbm>> -> memref<16x4096xf32, #tpu.memory_space<hbm>>
      tpu.enqueue_dma source(%arg7 : memref<16x4096xf32, #tpu.memory_space<vmem>>) target(%dma_start3A_586 : memref<16x4096xf32, #tpu.memory_space<hbm>>) target_semaphore(%run_scoped3A_583 : memref<!tpu.dma_semaphore, #tpu.memory_space<semaphore_mem>>)
      %dma_wait3A = arith.constant 0 : i32
      %dma_wait3A_587 = tpu.memref_slice %arg4[%add3A_472, %dma_wait3A] : memref<4096x4096xf32, #tpu.memory_space<hbm>> -> memref<16x4096xf32, #tpu.memory_space<hbm>>
      %dma_wait3A_588 = arith.constant 0 : i32
      %dma_wait3A_589 = tpu.memref_slice %arg4[%add3A_472, %dma_wait3A_588] : memref<4096x4096xf32, #tpu.memory_space<hbm>> -> memref<16x4096xf32, #tpu.memory_space<hbm>>
      tpu.wait_dma2 semaphore(%run_scoped3A_583 : memref<!tpu.dma_semaphore, #tpu.memory_space<semaphore_mem>>) src(%arg7 : memref<16x4096xf32, #tpu.memory_space<vmem>>) dst(%dma_wait3A_589 : memref<16x4096xf32, #tpu.memory_space<hbm>>)
      tpu.yield
    }) : () -> ()
    tpu.vector_store_idx %arg7[%iota3A, %select_n3A_465], %broadcast_in_dim3A_144 masked %lt3A_449 : memref<16x4096xf32, #tpu.memory_space<vmem>>[vector<16xi32>, vector<16xi32>], vector<16xf32>, vector<16xi1>
    tpu.vector_store_idx %arg7[%iota3A, %select_n3A_468], %broadcast_in_dim3A_144 masked %lt3A_452 : memref<16x4096xf32, #tpu.memory_space<vmem>>[vector<16xi32>, vector<16xi32>], vector<16xf32>, vector<16xi1>
    %add3A_473 = arith.constant 96 : i32
    %add3A_474 = vector.broadcast %add3A_473 : i32 to vector<16xi32>
    %add3A_475 = arith.addi %iota3A, %add3A_474 : vector<16xi32>
    %broadcast_in_dim3A_476 = arith.constant 0 : i32
    %broadcast_in_dim3A_477 = vector.broadcast %broadcast_in_dim3A_476 : i32 to vector<16xi32>
    %gather3A_478 = tpu.vector_load_idx %arg5[%add3A_475, %broadcast_in_dim3A_477] : memref<128x8xf32, #tpu.memory_space<vmem>>[vector<16xi32>, vector<16xi32>], vector<16xf32>,
    %add3A_479 = arith.constant 1 : i32
    %add3A_480 = vector.broadcast %add3A_479 : i32 to vector<16xi32>
    %add3A_481 = arith.addi %broadcast_in_dim3A_477, %add3A_480 : vector<16xi32>
    %gather3A_482 = tpu.vector_load_idx %arg5[%add3A_475, %add3A_481] : memref<128x8xf32, #tpu.memory_space<vmem>>[vector<16xi32>, vector<16xi32>], vector<16xf32>,
    %add3A_483 = arith.constant 2 : i32
    %add3A_484 = vector.broadcast %add3A_483 : i32 to vector<16xi32>
    %add3A_485 = arith.addi %broadcast_in_dim3A_477, %add3A_484 : vector<16xi32>
    %gather3A_486 = tpu.vector_load_idx %arg5[%add3A_475, %add3A_485] : memref<128x8xf32, #tpu.memory_space<vmem>>[vector<16xi32>, vector<16xi32>], vector<16xf32>,
    %add3A_487 = arith.constant 3 : i32
    %add3A_488 = vector.broadcast %add3A_487 : i32 to vector<16xi32>
    %add3A_489 = arith.addi %broadcast_in_dim3A_477, %add3A_488 : vector<16xi32>
    %gather3A_490 = tpu.vector_load_idx %arg5[%add3A_475, %add3A_489] : memref<128x8xf32, #tpu.memory_space<vmem>>[vector<16xi32>, vector<16xi32>], vector<16xf32>,
    %add3A_491 = arith.constant 4 : i32
    %add3A_492 = vector.broadcast %add3A_491 : i32 to vector<16xi32>
    %add3A_493 = arith.addi %broadcast_in_dim3A_477, %add3A_492 : vector<16xi32>
    %gather3A_494 = tpu.vector_load_idx %arg5[%add3A_475, %add3A_493] : memref<128x8xf32, #tpu.memory_space<vmem>>[vector<16xi32>, vector<16xi32>], vector<16xf32>,
    %add3A_495 = arith.constant 5 : i32
    %add3A_496 = vector.broadcast %add3A_495 : i32 to vector<16xi32>
    %add3A_497 = arith.addi %broadcast_in_dim3A_477, %add3A_496 : vector<16xi32>
    %gather3A_498 = tpu.vector_load_idx %arg5[%add3A_475, %add3A_497] : memref<128x8xf32, #tpu.memory_space<vmem>>[vector<16xi32>, vector<16xi32>], vector<16xf32>,
    %convert_element_type3A_499 = arith.fptosi %gather3A_482 : vector<16xf32> to vector<16xi32>
    %gather3A_500 = tpu.vector_load_idx %arg6[%convert_element_type3A_499] : memref<64xf32, #tpu.memory_space<vmem>>[vector<16xi32>], vector<16xf32>,
    %add3A_501 = arith.addf %gather3A_498, %gather3A_500 : vector<16xf32>
    %lt3A_502 = arith.constant 6.400000e+01 : f32
    %lt3A_503 = vector.broadcast %lt3A_502 : f32 to vector<16xf32>
    %lt3A_504 = arith.cmpf olt, %gather3A_494, %lt3A_503 : vector<16xf32>
    %lt3A_505 = arith.constant 6.400000e+01 : f32
    %lt3A_506 = vector.broadcast %lt3A_505 : f32 to vector<16xf32>
    %lt3A_507 = arith.cmpf olt, %add3A_501, %lt3A_506 : vector<16xf32>
    %mul3A_508 = arith.constant 6.400000e+01 : f32
    %mul3A_509 = vector.broadcast %mul3A_508 : f32 to vector<16xf32>
    %mul3A_510 = arith.mulf %gather3A_478, %mul3A_509 : vector<16xf32>
    %add3A_511 = arith.addf %mul3A_510, %gather3A_494 : vector<16xf32>
    %convert_element_type3A_512 = arith.fptosi %add3A_511 : vector<16xf32> to vector<16xi32>
    %mul3A_513 = arith.constant 6.400000e+01 : f32
    %mul3A_514 = vector.broadcast %mul3A_513 : f32 to vector<16xf32>
    %mul3A_515 = arith.mulf %gather3A_482, %mul3A_514 : vector<16xf32>
    %add3A_516 = arith.addf %mul3A_515, %add3A_501 : vector<16xf32>
    %convert_element_type3A_517 = arith.fptosi %add3A_516 : vector<16xf32> to vector<16xi32>
    %jit3A_518 = arith.constant 0 : i32
    %broadcast_in_dim3A_519 = vector.broadcast %jit3A_518 : i32 to vector<16xi32>
    %select_n3A_520 = arith.select %lt3A_504, %convert_element_type3A_512, %broadcast_in_dim3A_519 : vector<16xi1>, vector<16xi32>
    %jit3A_521 = arith.constant 0 : i32
    %broadcast_in_dim3A_522 = vector.broadcast %jit3A_521 : i32 to vector<16xi32>
    %select_n3A_523 = arith.select %lt3A_507, %convert_element_type3A_517, %broadcast_in_dim3A_522 : vector<16xi1>, vector<16xi32>
    tpu.vector_store_idx %arg7[%iota3A, %select_n3A_520], %gather3A_486 masked %lt3A_504 : memref<16x4096xf32, #tpu.memory_space<vmem>>[vector<16xi32>, vector<16xi32>], vector<16xf32>, vector<16xi1>
    tpu.vector_store_idx %arg7[%iota3A, %select_n3A_523], %gather3A_490 masked %lt3A_507 : memref<16x4096xf32, #tpu.memory_space<vmem>>[vector<16xi32>, vector<16xi32>], vector<16xf32>, vector<16xi1>
    %mul3A_524 = arith.constant 128 : i32
    %mul3A_525 = arith.muli %add3A, %mul3A_524 : i32
    %add3A_526 = arith.constant 96 : i32
    %add3A_527 = arith.addi %mul3A_525, %add3A_526 : i32
    "tpu.region"() ({
      %run_scoped3A_583 = tpu.sem_alloc : memref<!tpu.dma_semaphore, #tpu.memory_space<semaphore_mem>>
      %dma_start3A = arith.constant 0 : i32
      %dma_start3A_584 = tpu.memref_slice %arg4[%add3A_527, %dma_start3A] : memref<4096x4096xf32, #tpu.memory_space<hbm>> -> memref<16x4096xf32, #tpu.memory_space<hbm>>
      %dma_start3A_585 = arith.constant 0 : i32
      %dma_start3A_586 = tpu.memref_slice %arg4[%add3A_527, %dma_start3A_585] : memref<4096x4096xf32, #tpu.memory_space<hbm>> -> memref<16x4096xf32, #tpu.memory_space<hbm>>
      tpu.enqueue_dma source(%arg7 : memref<16x4096xf32, #tpu.memory_space<vmem>>) target(%dma_start3A_586 : memref<16x4096xf32, #tpu.memory_space<hbm>>) target_semaphore(%run_scoped3A_583 : memref<!tpu.dma_semaphore, #tpu.memory_space<semaphore_mem>>)
      %dma_wait3A = arith.constant 0 : i32
      %dma_wait3A_587 = tpu.memref_slice %arg4[%add3A_527, %dma_wait3A] : memref<4096x4096xf32, #tpu.memory_space<hbm>> -> memref<16x4096xf32, #tpu.memory_space<hbm>>
      %dma_wait3A_588 = arith.constant 0 : i32
      %dma_wait3A_589 = tpu.memref_slice %arg4[%add3A_527, %dma_wait3A_588] : memref<4096x4096xf32, #tpu.memory_space<hbm>> -> memref<16x4096xf32, #tpu.memory_space<hbm>>
      tpu.wait_dma2 semaphore(%run_scoped3A_583 : memref<!tpu.dma_semaphore, #tpu.memory_space<semaphore_mem>>) src(%arg7 : memref<16x4096xf32, #tpu.memory_space<vmem>>) dst(%dma_wait3A_589 : memref<16x4096xf32, #tpu.memory_space<hbm>>)
      tpu.yield
    }) : () -> ()
    tpu.vector_store_idx %arg7[%iota3A, %select_n3A_520], %broadcast_in_dim3A_144 masked %lt3A_504 : memref<16x4096xf32, #tpu.memory_space<vmem>>[vector<16xi32>, vector<16xi32>], vector<16xf32>, vector<16xi1>
    tpu.vector_store_idx %arg7[%iota3A, %select_n3A_523], %broadcast_in_dim3A_144 masked %lt3A_507 : memref<16x4096xf32, #tpu.memory_space<vmem>>[vector<16xi32>, vector<16xi32>], vector<16xf32>, vector<16xi1>
    %add3A_528 = arith.constant 112 : i32
    %add3A_529 = vector.broadcast %add3A_528 : i32 to vector<16xi32>
    %add3A_530 = arith.addi %iota3A, %add3A_529 : vector<16xi32>
    %broadcast_in_dim3A_531 = arith.constant 0 : i32
    %broadcast_in_dim3A_532 = vector.broadcast %broadcast_in_dim3A_531 : i32 to vector<16xi32>
    %gather3A_533 = tpu.vector_load_idx %arg5[%add3A_530, %broadcast_in_dim3A_532] : memref<128x8xf32, #tpu.memory_space<vmem>>[vector<16xi32>, vector<16xi32>], vector<16xf32>,
    %add3A_534 = arith.constant 1 : i32
    %add3A_535 = vector.broadcast %add3A_534 : i32 to vector<16xi32>
    %add3A_536 = arith.addi %broadcast_in_dim3A_532, %add3A_535 : vector<16xi32>
    %gather3A_537 = tpu.vector_load_idx %arg5[%add3A_530, %add3A_536] : memref<128x8xf32, #tpu.memory_space<vmem>>[vector<16xi32>, vector<16xi32>], vector<16xf32>,
    %add3A_538 = arith.constant 2 : i32
    %add3A_539 = vector.broadcast %add3A_538 : i32 to vector<16xi32>
    %add3A_540 = arith.addi %broadcast_in_dim3A_532, %add3A_539 : vector<16xi32>
    %gather3A_541 = tpu.vector_load_idx %arg5[%add3A_530, %add3A_540] : memref<128x8xf32, #tpu.memory_space<vmem>>[vector<16xi32>, vector<16xi32>], vector<16xf32>,
    %add3A_542 = arith.constant 3 : i32
    %add3A_543 = vector.broadcast %add3A_542 : i32 to vector<16xi32>
    %add3A_544 = arith.addi %broadcast_in_dim3A_532, %add3A_543 : vector<16xi32>
    %gather3A_545 = tpu.vector_load_idx %arg5[%add3A_530, %add3A_544] : memref<128x8xf32, #tpu.memory_space<vmem>>[vector<16xi32>, vector<16xi32>], vector<16xf32>,
    %add3A_546 = arith.constant 4 : i32
    %add3A_547 = vector.broadcast %add3A_546 : i32 to vector<16xi32>
    %add3A_548 = arith.addi %broadcast_in_dim3A_532, %add3A_547 : vector<16xi32>
    %gather3A_549 = tpu.vector_load_idx %arg5[%add3A_530, %add3A_548] : memref<128x8xf32, #tpu.memory_space<vmem>>[vector<16xi32>, vector<16xi32>], vector<16xf32>,
    %add3A_550 = arith.constant 5 : i32
    %add3A_551 = vector.broadcast %add3A_550 : i32 to vector<16xi32>
    %add3A_552 = arith.addi %broadcast_in_dim3A_532, %add3A_551 : vector<16xi32>
    %gather3A_553 = tpu.vector_load_idx %arg5[%add3A_530, %add3A_552] : memref<128x8xf32, #tpu.memory_space<vmem>>[vector<16xi32>, vector<16xi32>], vector<16xf32>,
    %convert_element_type3A_554 = arith.fptosi %gather3A_537 : vector<16xf32> to vector<16xi32>
    %gather3A_555 = tpu.vector_load_idx %arg6[%convert_element_type3A_554] : memref<64xf32, #tpu.memory_space<vmem>>[vector<16xi32>], vector<16xf32>,
    %add3A_556 = arith.addf %gather3A_553, %gather3A_555 : vector<16xf32>
    %lt3A_557 = arith.constant 6.400000e+01 : f32
    %lt3A_558 = vector.broadcast %lt3A_557 : f32 to vector<16xf32>
    %lt3A_559 = arith.cmpf olt, %gather3A_549, %lt3A_558 : vector<16xf32>
    %lt3A_560 = arith.constant 6.400000e+01 : f32
    %lt3A_561 = vector.broadcast %lt3A_560 : f32 to vector<16xf32>
    %lt3A_562 = arith.cmpf olt, %add3A_556, %lt3A_561 : vector<16xf32>
    %mul3A_563 = arith.constant 6.400000e+01 : f32
    %mul3A_564 = vector.broadcast %mul3A_563 : f32 to vector<16xf32>
    %mul3A_565 = arith.mulf %gather3A_533, %mul3A_564 : vector<16xf32>
    %add3A_566 = arith.addf %mul3A_565, %gather3A_549 : vector<16xf32>
    %convert_element_type3A_567 = arith.fptosi %add3A_566 : vector<16xf32> to vector<16xi32>
    %mul3A_568 = arith.constant 6.400000e+01 : f32
    %mul3A_569 = vector.broadcast %mul3A_568 : f32 to vector<16xf32>
    %mul3A_570 = arith.mulf %gather3A_537, %mul3A_569 : vector<16xf32>
    %add3A_571 = arith.addf %mul3A_570, %add3A_556 : vector<16xf32>
    %convert_element_type3A_572 = arith.fptosi %add3A_571 : vector<16xf32> to vector<16xi32>
    %jit3A_573 = arith.constant 0 : i32
    %broadcast_in_dim3A_574 = vector.broadcast %jit3A_573 : i32 to vector<16xi32>
    %select_n3A_575 = arith.select %lt3A_559, %convert_element_type3A_567, %broadcast_in_dim3A_574 : vector<16xi1>, vector<16xi32>
    %jit3A_576 = arith.constant 0 : i32
    %broadcast_in_dim3A_577 = vector.broadcast %jit3A_576 : i32 to vector<16xi32>
    %select_n3A_578 = arith.select %lt3A_562, %convert_element_type3A_572, %broadcast_in_dim3A_577 : vector<16xi1>, vector<16xi32>
    tpu.vector_store_idx %arg7[%iota3A, %select_n3A_575], %gather3A_541 masked %lt3A_559 : memref<16x4096xf32, #tpu.memory_space<vmem>>[vector<16xi32>, vector<16xi32>], vector<16xf32>, vector<16xi1>
    tpu.vector_store_idx %arg7[%iota3A, %select_n3A_578], %gather3A_545 masked %lt3A_562 : memref<16x4096xf32, #tpu.memory_space<vmem>>[vector<16xi32>, vector<16xi32>], vector<16xf32>, vector<16xi1>
    %mul3A_579 = arith.constant 128 : i32
    %mul3A_580 = arith.muli %add3A, %mul3A_579 : i32
    %add3A_581 = arith.constant 112 : i32
    %add3A_582 = arith.addi %mul3A_580, %add3A_581 : i32
    "tpu.region"() ({
      %run_scoped3A_583 = tpu.sem_alloc : memref<!tpu.dma_semaphore, #tpu.memory_space<semaphore_mem>>
      %dma_start3A = arith.constant 0 : i32
      %dma_start3A_584 = tpu.memref_slice %arg4[%add3A_582, %dma_start3A] : memref<4096x4096xf32, #tpu.memory_space<hbm>> -> memref<16x4096xf32, #tpu.memory_space<hbm>>
      %dma_start3A_585 = arith.constant 0 : i32
      %dma_start3A_586 = tpu.memref_slice %arg4[%add3A_582, %dma_start3A_585] : memref<4096x4096xf32, #tpu.memory_space<hbm>> -> memref<16x4096xf32, #tpu.memory_space<hbm>>
      tpu.enqueue_dma source(%arg7 : memref<16x4096xf32, #tpu.memory_space<vmem>>) target(%dma_start3A_586 : memref<16x4096xf32, #tpu.memory_space<hbm>>) target_semaphore(%run_scoped3A_583 : memref<!tpu.dma_semaphore, #tpu.memory_space<semaphore_mem>>)
      %dma_wait3A = arith.constant 0 : i32
      %dma_wait3A_587 = tpu.memref_slice %arg4[%add3A_582, %dma_wait3A] : memref<4096x4096xf32, #tpu.memory_space<hbm>> -> memref<16x4096xf32, #tpu.memory_space<hbm>>
      %dma_wait3A_588 = arith.constant 0 : i32
      %dma_wait3A_589 = tpu.memref_slice %arg4[%add3A_582, %dma_wait3A_588] : memref<4096x4096xf32, #tpu.memory_space<hbm>> -> memref<16x4096xf32, #tpu.memory_space<hbm>>
      tpu.wait_dma2 semaphore(%run_scoped3A_583 : memref<!tpu.dma_semaphore, #tpu.memory_space<semaphore_mem>>) src(%arg7 : memref<16x4096xf32, #tpu.memory_space<vmem>>) dst(%dma_wait3A_589 : memref<16x4096xf32, #tpu.memory_space<hbm>>)
      tpu.yield
    }) : () -> ()
    tpu.vector_store_idx %arg7[%iota3A, %select_n3A_575], %broadcast_in_dim3A_144 masked %lt3A_559 : memref<16x4096xf32, #tpu.memory_space<vmem>>[vector<16xi32>, vector<16xi32>], vector<16xf32>, vector<16xi1>
    tpu.vector_store_idx %arg7[%iota3A, %select_n3A_578], %broadcast_in_dim3A_144 masked %lt3A_562 : memref<16x4096xf32, #tpu.memory_space<vmem>>[vector<16xi32>, vector<16xi32>], vector<16xf32>, vector<16xi1>
    return
  }
}

module attributes {stable_mosaic.version = 14 : i64} {
  func.func @_route_kernel(%arg0: i32, %arg1: memref<256x2048xf32, #tpu.memory_space<vmem>>, %arg2: memref<2048x64xf32, #tpu.memory_space<vmem>>, %arg3: memref<1x256x8xf32, #tpu.memory_space<vmem>>, %arg4: memref<8x64xf32, #tpu.memory_space<vmem>>) attributes {dimension_semantics = [#tpu.dimension_semantics<arbitrary>], iteration_bounds = array<i64: 16>, scalar_prefetch = 0 : i64, scratch_operands = 0 : i64, tpu.core_type = #tpu.core_type<tc>, window_params = [{transform_indices = @transform_0, window_bounds = array<i64: 256, 2048>}, {pipeline_mode = #tpu.pipeline_mode<synchronous>, transform_indices = @transform_1, window_bounds = array<i64: 2048, 64>}, {transform_indices = @transform_2, window_bounds = array<i64: 1, 256, 8>}, {pipeline_mode = #tpu.pipeline_mode<synchronous>, transform_indices = @transform_3, window_bounds = array<i64: 8, 64>}]} {
    %eq3A = arith.constant 0 : i32
    %eq3A_0 = arith.cmpi eq, %arg0, %eq3A : i32
    %convert_element_type3A = arith.extui %eq3A_0 : i1 to i32
    %cond3A = arith.constant 0 : i32
    %cond3A_1 = arith.cmpi ne, %convert_element_type3A, %cond3A : i32
    scf.if %cond3A_1 {
      %broadcast_in_dim3A_112 = arith.constant 0.000000e+00 : f32
      %broadcast_in_dim3A_113 = vector.broadcast %broadcast_in_dim3A_112 : f32 to vector<8x64xf32>
      %swap3A_114 = arith.constant 0 : index
      %swap3A_115 = arith.constant 0 : index
      %swap3A_116 = vector.load %arg4[%swap3A_114, %swap3A_115] : memref<8x64xf32, #tpu.memory_space<vmem>>, vector<8x64xf32>
      tpu.vector_store %arg4[%swap3A_114, %swap3A_115], %broadcast_in_dim3A_113 {strides = array<i32>} : memref<8x64xf32, #tpu.memory_space<vmem>>, vector<8x64xf32>,
    } else {
    }
    %get3A = arith.constant 0 : index
    %get3A_2 = arith.constant 0 : index
    %get3A_3 = vector.load %arg1[%get3A, %get3A_2] : memref<256x2048xf32, #tpu.memory_space<vmem>>, vector<256x2048xf32>
    %get3A_4 = arith.constant 0 : index
    %get3A_5 = arith.constant 0 : index
    %get3A_6 = vector.load %arg2[%get3A_4, %get3A_5] : memref<2048x64xf32, #tpu.memory_space<vmem>>, vector<2048x64xf32>
    %dot_general3A = arith.constant dense<0.000000e+00> : vector<256x64xf32>
    %dot_general3A_7 = tpu.matmul %get3A_3, %get3A_6, %dot_general3A {dimension_numbers = #tpu.dot_dimension_numbers<[1], [0], [0], [1], [0, 0, 1, 1], [], []>, transpose_lhs_hint = false} : vector<256x2048xf32>, vector<2048x64xf32>, vector<256x64xf32> -> vector<256x64xf32>
    %reduce_max3A = arith.constant dense<0xFF800000> : vector<256xf32>
    %reduce_max3A_8 = vector.multi_reduction <maximumf>, %dot_general3A_7, %reduce_max3A [1] : vector<256x64xf32> to vector<256xf32>
    %broadcast_in_dim3A = vector.shape_cast %reduce_max3A_8 : vector<256xf32> to vector<256x1xf32>
    %sub3A = vector.broadcast %broadcast_in_dim3A : vector<256x1xf32> to vector<256x64xf32>
    %sub3A_9 = arith.subf %dot_general3A_7, %sub3A : vector<256x64xf32>
    %exp3A = math.exp %sub3A_9 : vector<256x64xf32>
    %reduce_sum3A = arith.constant dense<0.000000e+00> : vector<256xf32>
    %reduce_sum3A_10 = vector.multi_reduction <add>, %exp3A, %reduce_sum3A [1] : vector<256x64xf32> to vector<256xf32>
    %broadcast_in_dim3A_11 = vector.shape_cast %reduce_sum3A_10 : vector<256xf32> to vector<256x1xf32>
    %div3A = vector.broadcast %broadcast_in_dim3A_11 : vector<256x1xf32> to vector<256x64xf32>
    %div3A_12 = arith.divf %exp3A, %div3A : vector<256x64xf32>
    %iota3A = tpu.iota {dimensions = array<i32: 1>} : vector<256x64xi32>
    %convert_element_type3A_13 = arith.sitofp %iota3A : vector<256x64xi32> to vector<256x64xf32>
    %reduce_max3A_14 = arith.constant dense<0xFF800000> : vector<256xf32>
    %reduce_max3A_15 = vector.multi_reduction <maximumf>, %div3A_12, %reduce_max3A_14 [1] : vector<256x64xf32> to vector<256xf32>
    %broadcast_in_dim3A_16 = vector.shape_cast %reduce_max3A_15 : vector<256xf32> to vector<256x1xf32>
    %eq3A_17 = vector.broadcast %broadcast_in_dim3A_16 : vector<256x1xf32> to vector<256x64xf32>
    %eq3A_18 = arith.cmpf oeq, %div3A_12, %eq3A_17 : vector<256x64xf32>
    %jit3A = arith.constant 6.400000e+01 : f32
    %broadcast_in_dim3A_19 = vector.broadcast %jit3A : f32 to vector<256x64xf32>
    %select_n3A = arith.select %eq3A_18, %convert_element_type3A_13, %broadcast_in_dim3A_19 : vector<256x64xi1>, vector<256x64xf32>
    %reduce_min3A = arith.constant dense<0x7F800000> : vector<256xf32>
    %reduce_min3A_20 = vector.multi_reduction <minimumf>, %select_n3A, %reduce_min3A [1] : vector<256x64xf32> to vector<256xf32>
    %broadcast_in_dim3A_21 = vector.shape_cast %reduce_min3A_20 : vector<256xf32> to vector<256x1xf32>
    %eq3A_22 = vector.broadcast %broadcast_in_dim3A_21 : vector<256x1xf32> to vector<256x64xf32>
    %eq3A_23 = arith.cmpf oeq, %convert_element_type3A_13, %eq3A_22 : vector<256x64xf32>
    %convert_element_type3A_24 = arith.extui %eq3A_23 : vector<256x64xi1> to vector<256x64xi32>
    %convert_element_type3A_25 = arith.sitofp %convert_element_type3A_24 : vector<256x64xi32> to vector<256x64xf32>
    %eq3A_26 = vector.broadcast %broadcast_in_dim3A_21 : vector<256x1xf32> to vector<256x64xf32>
    %eq3A_27 = arith.cmpf oeq, %convert_element_type3A_13, %eq3A_26 : vector<256x64xf32>
    %jit3A_28 = arith.constant 0xFF800000 : f32
    %broadcast_in_dim3A_29 = vector.broadcast %jit3A_28 : f32 to vector<256x64xf32>
    %select_n3A_30 = arith.select %eq3A_27, %broadcast_in_dim3A_29, %div3A_12 : vector<256x64xi1>, vector<256x64xf32>
    %reduce_max3A_31 = arith.constant dense<0xFF800000> : vector<256xf32>
    %reduce_max3A_32 = vector.multi_reduction <maximumf>, %select_n3A_30, %reduce_max3A_31 [1] : vector<256x64xf32> to vector<256xf32>
    %broadcast_in_dim3A_33 = vector.shape_cast %reduce_max3A_32 : vector<256xf32> to vector<256x1xf32>
    %eq3A_34 = vector.broadcast %broadcast_in_dim3A_33 : vector<256x1xf32> to vector<256x64xf32>
    %eq3A_35 = arith.cmpf oeq, %select_n3A_30, %eq3A_34 : vector<256x64xf32>
    %jit3A_36 = arith.constant 6.400000e+01 : f32
    %broadcast_in_dim3A_37 = vector.broadcast %jit3A_36 : f32 to vector<256x64xf32>
    %select_n3A_38 = arith.select %eq3A_35, %convert_element_type3A_13, %broadcast_in_dim3A_37 : vector<256x64xi1>, vector<256x64xf32>
    %reduce_min3A_39 = arith.constant dense<0x7F800000> : vector<256xf32>
    %reduce_min3A_40 = vector.multi_reduction <minimumf>, %select_n3A_38, %reduce_min3A_39 [1] : vector<256x64xf32> to vector<256xf32>
    %broadcast_in_dim3A_41 = vector.shape_cast %reduce_min3A_40 : vector<256xf32> to vector<256x1xf32>
    %lt3A = arith.constant 4.000000e-01 : f32
    %lt3A_42 = vector.broadcast %lt3A : f32 to vector<256x1xf32>
    %lt3A_43 = arith.cmpf olt, %broadcast_in_dim3A_16, %lt3A_42 : vector<256x1xf32>
    %eq3A_44 = vector.broadcast %broadcast_in_dim3A_41 : vector<256x1xf32> to vector<256x64xf32>
    %eq3A_45 = arith.cmpf oeq, %convert_element_type3A_13, %eq3A_44 : vector<256x64xf32>
    %and3A = vector.broadcast %lt3A_43 : vector<256x1xi1> to vector<256x64xi1>
    %and3A_46 = arith.andi %eq3A_45, %and3A : vector<256x64xi1>
    %convert_element_type3A_47 = arith.extui %and3A_46 : vector<256x64xi1> to vector<256x64xi32>
    %convert_element_type3A_48 = arith.sitofp %convert_element_type3A_47 : vector<256x64xi32> to vector<256x64xf32>
    %iota3A_49 = tpu.iota {dimensions = array<i32: 0>} : vector<256x256xi32>
    %iota3A_50 = tpu.iota {dimensions = array<i32: 1>} : vector<256x256xi32>
    %gt3A = arith.cmpi sgt, %iota3A_49, %iota3A_50 : vector<256x256xi32>
    %convert_element_type3A_51 = arith.extui %gt3A : vector<256x256xi1> to vector<256x256xi32>
    %convert_element_type3A_52 = arith.sitofp %convert_element_type3A_51 : vector<256x256xi32> to vector<256x256xf32>
    %dot_general3A_53 = arith.constant dense<0.000000e+00> : vector<256x64xf32>
    %dot_general3A_54 = tpu.matmul %convert_element_type3A_52, %convert_element_type3A_25, %dot_general3A_53 {dimension_numbers = #tpu.dot_dimension_numbers<[1], [0], [0], [1], [0, 0, 1, 1], [], []>, transpose_lhs_hint = false} : vector<256x256xf32>, vector<256x64xf32>, vector<256x64xf32> -> vector<256x64xf32>
    %dot_general3A_55 = arith.constant dense<0.000000e+00> : vector<256x64xf32>
    %dot_general3A_56 = tpu.matmul %convert_element_type3A_52, %convert_element_type3A_48, %dot_general3A_55 {dimension_numbers = #tpu.dot_dimension_numbers<[1], [0], [0], [1], [0, 0, 1, 1], [], []>, transpose_lhs_hint = false} : vector<256x256xf32>, vector<256x64xf32>, vector<256x64xf32> -> vector<256x64xf32>
    %get3A_57 = arith.constant 0 : index
    %get3A_58 = arith.constant 0 : index
    %get3A_59 = vector.load %arg4[%get3A_57, %get3A_58] : memref<8x64xf32, #tpu.memory_space<vmem>>, vector<1x64xf32>
    %get3A_60 = arith.constant 1 : index
    %get3A_61 = arith.constant 0 : index
    %get3A_62 = vector.load %arg4[%get3A_60, %get3A_61] : memref<8x64xf32, #tpu.memory_space<vmem>>, vector<1x64xf32>
    %add3A = vector.broadcast %get3A_59 : vector<1x64xf32> to vector<256x64xf32>
    %add3A_63 = arith.addf %dot_general3A_54, %add3A : vector<256x64xf32>
    %mul3A = arith.mulf %add3A_63, %convert_element_type3A_25 : vector<256x64xf32>
    %reduce_sum3A_64 = arith.constant dense<0.000000e+00> : vector<256xf32>
    %reduce_sum3A_65 = vector.multi_reduction <add>, %mul3A, %reduce_sum3A_64 [1] : vector<256x64xf32> to vector<256xf32>
    %broadcast_in_dim3A_66 = vector.shape_cast %reduce_sum3A_65 : vector<256xf32> to vector<256x1xf32>
    %add3A_67 = vector.broadcast %get3A_62 : vector<1x64xf32> to vector<256x64xf32>
    %add3A_68 = arith.addf %dot_general3A_56, %add3A_67 : vector<256x64xf32>
    %mul3A_69 = arith.mulf %add3A_68, %convert_element_type3A_48 : vector<256x64xf32>
    %reduce_sum3A_70 = arith.constant dense<0.000000e+00> : vector<256xf32>
    %reduce_sum3A_71 = vector.multi_reduction <add>, %mul3A_69, %reduce_sum3A_70 [1] : vector<256x64xf32> to vector<256xf32>
    %broadcast_in_dim3A_72 = vector.shape_cast %reduce_sum3A_71 : vector<256xf32> to vector<256x1xf32>
    %jit3A_73 = arith.constant 1.000000e+06 : f32
    %broadcast_in_dim3A_74 = vector.broadcast %jit3A_73 : f32 to vector<256x1xf32>
    %select_n3A_75 = arith.select %lt3A_43, %broadcast_in_dim3A_72, %broadcast_in_dim3A_74 : vector<256x1xi1>, vector<256x1xf32>
    %reduce_sum3A_76 = arith.constant dense<0.000000e+00> : vector<64xf32>
    %reduce_sum3A_77 = vector.multi_reduction <add>, %convert_element_type3A_25, %reduce_sum3A_76 [0] : vector<256x64xf32> to vector<64xf32>
    %broadcast_in_dim3A_78 = vector.shape_cast %reduce_sum3A_77 : vector<64xf32> to vector<1x64xf32>
    %add3A_79 = arith.addf %get3A_59, %broadcast_in_dim3A_78 : vector<1x64xf32>
    %swap3A = arith.constant 0 : index
    %swap3A_80 = arith.constant 0 : index
    %swap3A_81 = vector.load %arg4[%swap3A, %swap3A_80] : memref<8x64xf32, #tpu.memory_space<vmem>>, vector<1x64xf32>
    tpu.vector_store %arg4[%swap3A, %swap3A_80], %add3A_79 {strides = array<i32>} : memref<8x64xf32, #tpu.memory_space<vmem>>, vector<1x64xf32>,
    %reduce_sum3A_82 = arith.constant dense<0.000000e+00> : vector<64xf32>
    %reduce_sum3A_83 = vector.multi_reduction <add>, %convert_element_type3A_48, %reduce_sum3A_82 [0] : vector<256x64xf32> to vector<64xf32>
    %broadcast_in_dim3A_84 = vector.shape_cast %reduce_sum3A_83 : vector<64xf32> to vector<1x64xf32>
    %add3A_85 = arith.addf %get3A_62, %broadcast_in_dim3A_84 : vector<1x64xf32>
    %swap3A_86 = arith.constant 1 : index
    %swap3A_87 = arith.constant 0 : index
    %swap3A_88 = vector.load %arg4[%swap3A_86, %swap3A_87] : memref<8x64xf32, #tpu.memory_space<vmem>>, vector<1x64xf32>
    tpu.vector_store %arg4[%swap3A_86, %swap3A_87], %add3A_85 {strides = array<i32>} : memref<8x64xf32, #tpu.memory_space<vmem>>, vector<1x64xf32>,
    %get3A_89 = arith.constant 2 : index
    %get3A_90 = arith.constant 0 : index
    %get3A_91 = vector.load %arg4[%get3A_89, %get3A_90] : memref<8x64xf32, #tpu.memory_space<vmem>>, vector<1x64xf32>
    %reduce_sum3A_92 = arith.constant dense<0.000000e+00> : vector<64xf32>
    %reduce_sum3A_93 = vector.multi_reduction <add>, %div3A_12, %reduce_sum3A_92 [0] : vector<256x64xf32> to vector<64xf32>
    %broadcast_in_dim3A_94 = vector.shape_cast %reduce_sum3A_93 : vector<64xf32> to vector<1x64xf32>
    %add3A_95 = arith.addf %get3A_91, %broadcast_in_dim3A_94 : vector<1x64xf32>
    %swap3A_96 = arith.constant 2 : index
    %swap3A_97 = arith.constant 0 : index
    %swap3A_98 = vector.load %arg4[%swap3A_96, %swap3A_97] : memref<8x64xf32, #tpu.memory_space<vmem>>, vector<1x64xf32>
    tpu.vector_store %arg4[%swap3A_96, %swap3A_97], %add3A_95 {strides = array<i32>} : memref<8x64xf32, #tpu.memory_space<vmem>>, vector<1x64xf32>,
    %broadcast_in_dim3A_99 = arith.constant 0.000000e+00 : f32
    %broadcast_in_dim3A_100 = vector.broadcast %broadcast_in_dim3A_99 : f32 to vector<256x2xf32>
    %concatenate3A = tpu.concatenate %broadcast_in_dim3A_21, %broadcast_in_dim3A_41, %broadcast_in_dim3A_16, %broadcast_in_dim3A_33, %broadcast_in_dim3A_66, %select_n3A_75, %broadcast_in_dim3A_100 in 1 : vector<256x1xf32>, vector<256x1xf32>, vector<256x1xf32>, vector<256x1xf32>, vector<256x1xf32>, vector<256x1xf32>, vector<256x2xf32> -> vector<256x8xf32>
    %swap3A_101 = arith.constant 0 : index
    %swap3A_102 = arith.constant 0 : index
    %swap3A_103 = arith.constant 0 : index
    %swap3A_104 = vector.load %arg3[%swap3A_101, %swap3A_102, %swap3A_103] : memref<1x256x8xf32, #tpu.memory_space<vmem>>, vector<1x256x8xf32>
    %swap3A_105 = vector.shape_cast %swap3A_104 : vector<1x256x8xf32> to vector<256x8xf32>
    %swap3A_106 = vector.shape_cast %concatenate3A : vector<256x8xf32> to vector<1x256x8xf32>
    tpu.vector_store %arg3[%swap3A_101, %swap3A_102, %swap3A_103], %swap3A_106 {strides = array<i32>} : memref<1x256x8xf32, #tpu.memory_space<vmem>>, vector<1x256x8xf32>,
    %eq3A_107 = arith.constant 15 : i32
    %eq3A_108 = arith.cmpi eq, %arg0, %eq3A_107 : i32
    %convert_element_type3A_109 = arith.extui %eq3A_108 : i1 to i32
    %cond3A_110 = arith.constant 0 : i32
    %cond3A_111 = arith.cmpi ne, %convert_element_type3A_109, %cond3A_110 : i32
    scf.if %cond3A_111 {
      %get3A_112 = arith.constant 0 : index
      %get3A_113 = arith.constant 0 : index
      %get3A_114 = vector.load %arg4[%get3A_112, %get3A_113] : memref<8x64xf32, #tpu.memory_space<vmem>>, vector<1x64xf32>
      %get3A_115 = arith.constant 2 : index
      %get3A_116 = arith.constant 0 : index
      %get3A_117 = vector.load %arg4[%get3A_115, %get3A_116] : memref<8x64xf32, #tpu.memory_space<vmem>>, vector<1x64xf32>
      %mul3A_118 = arith.mulf %get3A_114, %get3A_117 : vector<1x64xf32>
      %reduce_sum3A_119 = vector.shape_cast %mul3A_118 : vector<1x64xf32> to vector<1x1x64xf32>
      %reduce_sum3A_120 = arith.constant dense<0.000000e+00> : vector<1xf32>
      %reduce_sum3A_121 = vector.multi_reduction <add>, %reduce_sum3A_119, %reduce_sum3A_120 [1, 2] : vector<1x1x64xf32> to vector<1xf32>
      %reduce_sum3A_122 = vector.shape_cast %reduce_sum3A_121 : vector<1xf32> to vector<1x1x1xf32>
      %reduce_sum3A_123 = vector.extract %reduce_sum3A_122[0, 0, 0] : f32 from vector<1x1x1xf32>
      %mul3A_124 = arith.constant 3.81469727E-6 : f32
      %mul3A_125 = arith.mulf %reduce_sum3A_123, %mul3A_124 : f32
      %broadcast_in_dim3A_126 = vector.broadcast %mul3A_125 : f32 to vector<1x64xf32>
      %swap3A_127 = arith.constant 3 : index
      %swap3A_128 = arith.constant 0 : index
      %swap3A_129 = vector.load %arg4[%swap3A_127, %swap3A_128] : memref<8x64xf32, #tpu.memory_space<vmem>>, vector<1x64xf32>
      tpu.vector_store %arg4[%swap3A_127, %swap3A_128], %broadcast_in_dim3A_126 {strides = array<i32>} : memref<8x64xf32, #tpu.memory_space<vmem>>, vector<1x64xf32>,
    } else {
    }
    return
  }
  func.func @transform_0(%arg0: i32) -> (i32, i32) {
    %c0_i32 = arith.constant 0 : i32
    %c0_i32_0 = arith.constant 0 : i32
    return %arg0, %c0_i32 : i32, i32
  }
  func.func @transform_1(%arg0: i32) -> (i32, i32) {
    %c0_i32 = arith.constant 0 : i32
    %c0_i32_0 = arith.constant 0 : i32
    %c0_i32_1 = arith.constant 0 : i32
    return %c0_i32, %c0_i32_0 : i32, i32
  }
  func.func @transform_2(%arg0: i32) -> (i32, i32, i32) {
    %c0_i32 = arith.constant 0 : i32
    %c0_i32_0 = arith.constant 0 : i32
    %c0_i32_1 = arith.constant 0 : i32
    return %arg0, %c0_i32, %c0_i32_0 : i32, i32, i32
  }
  func.func @transform_3(%arg0: i32) -> (i32, i32) {
    %c0_i32 = arith.constant 0 : i32
    %c0_i32_0 = arith.constant 0 : i32
    %c0_i32_1 = arith.constant 0 : i32
    return %c0_i32, %c0_i32_0 : i32, i32
  }
}

module attributes {stable_mosaic.version = 14 : i64} {
  func.func @_mask_kernel(%arg0: i32, %arg1: memref<1x256x8xf32, #tpu.memory_space<vmem>>, %arg2: memref<8x64xf32, #tpu.memory_space<vmem>>, %arg3: memref<256x4096xi8, #tpu.memory_space<vmem>>) attributes {dimension_semantics = [#tpu.dimension_semantics<arbitrary>], iteration_bounds = array<i64: 16>, scalar_prefetch = 0 : i64, scratch_operands = 0 : i64, tpu.core_type = #tpu.core_type<tc>, window_params = [{transform_indices = @transform_0, window_bounds = array<i64: 1, 256, 8>}, {pipeline_mode = #tpu.pipeline_mode<synchronous>, transform_indices = @transform_1, window_bounds = array<i64: 8, 64>}, {transform_indices = @transform_2, window_bounds = array<i64: 256, 4096>}]} {
    %get3A = arith.constant 0 : index
    %get3A_0 = arith.constant 0 : index
    %get3A_1 = arith.constant 0 : index
    %get3A_2 = vector.load %arg1[%get3A, %get3A_0, %get3A_1] : memref<1x256x8xf32, #tpu.memory_space<vmem>>, vector<1x256x8xf32>
    %get3A_3 = vector.shape_cast %get3A_2 : vector<1x256x8xf32> to vector<256x8xf32>
    %slice3A = vector.extract_strided_slice %get3A_3 {offsets = [0, 0], sizes = [256, 1], strides = [1, 1]} : vector<256x8xf32> to vector<256x1xf32>
    %slice3A_4 = vector.extract_strided_slice %get3A_3 {offsets = [0, 1], sizes = [256, 1], strides = [1, 1]} : vector<256x8xf32> to vector<256x1xf32>
    %slice3A_5 = vector.extract_strided_slice %get3A_3 {offsets = [0, 4], sizes = [256, 1], strides = [1, 1]} : vector<256x8xf32> to vector<256x1xf32>
    %slice3A_6 = vector.extract_strided_slice %get3A_3 {offsets = [0, 5], sizes = [256, 1], strides = [1, 1]} : vector<256x8xf32> to vector<256x1xf32>
    %slice3A_7 = vector.extract_strided_slice %get3A_3 {offsets = [0, 2], sizes = [256, 1], strides = [1, 1]} : vector<256x8xf32> to vector<256x1xf32>
    %slice3A_8 = vector.extract_strided_slice %get3A_3 {offsets = [0, 3], sizes = [256, 1], strides = [1, 1]} : vector<256x8xf32> to vector<256x1xf32>
    %get3A_9 = arith.constant 0 : index
    %get3A_10 = arith.constant 0 : index
    %get3A_11 = vector.load %arg2[%get3A_9, %get3A_10] : memref<8x64xf32, #tpu.memory_space<vmem>>, vector<1x64xf32>
    %iota3A = tpu.iota {dimensions = array<i32: 1>} : vector<256x64xi32>
    %convert_element_type3A = arith.sitofp %iota3A : vector<256x64xi32> to vector<256x64xf32>
    %eq3A = vector.broadcast %slice3A_4 : vector<256x1xf32> to vector<256x64xf32>
    %eq3A_12 = arith.cmpf oeq, %convert_element_type3A, %eq3A : vector<256x64xf32>
    %convert_element_type3A_13 = arith.extui %eq3A_12 : vector<256x64xi1> to vector<256x64xi32>
    %convert_element_type3A_14 = arith.sitofp %convert_element_type3A_13 : vector<256x64xi32> to vector<256x64xf32>
    %mul3A = vector.broadcast %get3A_11 : vector<1x64xf32> to vector<256x64xf32>
    %mul3A_15 = arith.mulf %mul3A, %convert_element_type3A_14 : vector<256x64xf32>
    %reduce_sum3A = arith.constant dense<0.000000e+00> : vector<256xf32>
    %reduce_sum3A_16 = vector.multi_reduction <add>, %mul3A_15, %reduce_sum3A [1] : vector<256x64xf32> to vector<256xf32>
    %broadcast_in_dim3A = vector.shape_cast %reduce_sum3A_16 : vector<256xf32> to vector<256x1xf32>
    %add3A = arith.addf %slice3A_6, %broadcast_in_dim3A : vector<256x1xf32>
    %lt3A = arith.constant 6.400000e+01 : f32
    %lt3A_17 = vector.broadcast %lt3A : f32 to vector<256x1xf32>
    %lt3A_18 = arith.cmpf olt, %slice3A_5, %lt3A_17 : vector<256x1xf32>
    %ne3A = arith.constant 0.000000e+00 : f32
    %ne3A_19 = vector.broadcast %ne3A : f32 to vector<256x1xf32>
    %ne3A_20 = arith.cmpf one, %slice3A_7, %ne3A_19 : vector<256x1xf32>
    %and3A = arith.andi %lt3A_18, %ne3A_20 : vector<256x1xi1>
    %mul3A_21 = arith.constant 6.400000e+01 : f32
    %mul3A_22 = vector.broadcast %mul3A_21 : f32 to vector<256x1xf32>
    %mul3A_23 = arith.mulf %slice3A, %mul3A_22 : vector<256x1xf32>
    %add3A_24 = arith.addf %mul3A_23, %slice3A_5 : vector<256x1xf32>
    %jit3A = arith.constant -1.000000e+00 : f32
    %broadcast_in_dim3A_25 = vector.broadcast %jit3A : f32 to vector<256x1xf32>
    %select_n3A = arith.select %and3A, %add3A_24, %broadcast_in_dim3A_25 : vector<256x1xi1>, vector<256x1xf32>
    %lt3A_26 = arith.constant 6.400000e+01 : f32
    %lt3A_27 = vector.broadcast %lt3A_26 : f32 to vector<256x1xf32>
    %lt3A_28 = arith.cmpf olt, %add3A, %lt3A_27 : vector<256x1xf32>
    %ne3A_29 = arith.constant 0.000000e+00 : f32
    %ne3A_30 = vector.broadcast %ne3A_29 : f32 to vector<256x1xf32>
    %ne3A_31 = arith.cmpf one, %slice3A_8, %ne3A_30 : vector<256x1xf32>
    %and3A_32 = arith.andi %lt3A_28, %ne3A_31 : vector<256x1xi1>
    %mul3A_33 = arith.constant 6.400000e+01 : f32
    %mul3A_34 = vector.broadcast %mul3A_33 : f32 to vector<256x1xf32>
    %mul3A_35 = arith.mulf %slice3A_4, %mul3A_34 : vector<256x1xf32>
    %add3A_36 = arith.addf %mul3A_35, %add3A : vector<256x1xf32>
    %jit3A_37 = arith.constant -1.000000e+00 : f32
    %broadcast_in_dim3A_38 = vector.broadcast %jit3A_37 : f32 to vector<256x1xf32>
    %select_n3A_39 = arith.select %and3A_32, %add3A_36, %broadcast_in_dim3A_38 : vector<256x1xi1>, vector<256x1xf32>
    %iota3A_40 = tpu.iota {dimensions = array<i32: 1>} : vector<256x4096xi32>
    %convert_element_type3A_41 = arith.sitofp %iota3A_40 : vector<256x4096xi32> to vector<256x4096xf32>
    %eq3A_42 = vector.broadcast %select_n3A : vector<256x1xf32> to vector<256x4096xf32>
    %eq3A_43 = arith.cmpf oeq, %convert_element_type3A_41, %eq3A_42 : vector<256x4096xf32>
    %eq3A_44 = vector.broadcast %select_n3A_39 : vector<256x1xf32> to vector<256x4096xf32>
    %eq3A_45 = arith.cmpf oeq, %convert_element_type3A_41, %eq3A_44 : vector<256x4096xf32>
    %or3A = arith.ori %eq3A_43, %eq3A_45 : vector<256x4096xi1>
    %convert_element_type3A_46 = arith.extui %or3A : vector<256x4096xi1> to vector<256x4096xi8>
    %swap3A = arith.constant 0 : index
    %swap3A_47 = arith.constant 0 : index
    %swap3A_48 = vector.load %arg3[%swap3A, %swap3A_47] : memref<256x4096xi8, #tpu.memory_space<vmem>>, vector<256x4096xi8>
    tpu.vector_store %arg3[%swap3A, %swap3A_47], %convert_element_type3A_46 {strides = array<i32>} : memref<256x4096xi8, #tpu.memory_space<vmem>>, vector<256x4096xi8>,
    return
  }
  func.func @transform_0(%arg0: i32) -> (i32, i32, i32) {
    %c0_i32 = arith.constant 0 : i32
    %c0_i32_0 = arith.constant 0 : i32
    %c0_i32_1 = arith.constant 0 : i32
    return %arg0, %c0_i32, %c0_i32_0 : i32, i32, i32
  }
  func.func @transform_1(%arg0: i32) -> (i32, i32) {
    %c0_i32 = arith.constant 0 : i32
    %c0_i32_0 = arith.constant 0 : i32
    %c0_i32_1 = arith.constant 0 : i32
    return %c0_i32, %c0_i32_0 : i32, i32
  }
  func.func @transform_2(%arg0: i32) -> (i32, i32) {
    %c0_i32 = arith.constant 0 : i32
    %c0_i32_0 = arith.constant 0 : i32
    return %arg0, %c0_i32 : i32, i32
  }
}

</mosaic_0001>

<sc_bundles>
// kernel: kernel.5.cloned.1.call-start
scs
__scs_entry_jumppad:
0x0: {  	(pc) =	sbr.rel $0x88, $3  }
0x1: {  	(tag) =	ssettag $0x0;
	lr =	simm.s32 $0x1  }
0x2: {  	[smem:$0x3F9F] =	sst lr;
	_ =	strace $0xD0000000  }
0x3: {  	_ = 	snop  }
0x4: {  	_ = 	snop  }
0x5: {  	_ = 	snop  }
0x6: {  	_ = 	snop  }
0x7: {  	_ = 	snop  }
__scs_overlays_trampoline_lowered:
0x8: {  	[smem:$0x3FAE] =	sst s0  }
0x9: {  	[smem:$0x3FAF] =	sst s1  }
0xa: {  	[smem:$0x3FB0] =	sst s2  }
0xb: {  	[smem:$0x3FB1] =	sst s3  }
0xc: {  	[smem:$0x3FB2] =	sst s4  }
0xd: {  	[smem:$0x3FB3] =	sst s5  }
0xe: {  	[smem:$0x3FB4] =	sst s6  }
0xf: {  	[smem:$0x3FB5] =	sst s7  }
0x10: {  	[smem:$0x3FB6] =	sst s8  }
0x11: {  	[smem:$0x3FB7] =	sst s9;
	s0 =	simm.s32 @!p0 $0x0  }
0x12: {  	s1 =	sld [smem:$0x3F9D];
	s0 =	simm.s32 @p0 $0x1  }
0x13: {  	[smem:$0x3FB8] =	sst s0;
	s0 =	simm.s32 @!p1 $0x0  }
0x14: {  	s2 =	sld [smem:$0x3F9C];
	s0 =	simm.s32 @p1 $0x1  }
0x15: {  	[smem:$0x3FB9] =	sst s0;
	s0 =	simm.s32 @!p2 $0x0  }
0x16: {  	s3 =	sld [smem:$0x3FDB];
	s0 =	simm.s32 @p2 $0x1  }
0x17: {  	s4 =	simm.s32 $0x1BF5;
	[smem:$0x3FBB] =	sst s0  }
0x18: {  	s0 =	sld [smem:$0x3F9E];
	_ =	swait.ge [sflag:s4], $0x0  }
0x19: {  	s7 =	sld [smem:$0x3F9F]  }
0x1a: {  	s8 =	sadd.s32 $0xFFFFE003, lr  }
0x1b: {  	s9 =	sadd.s32 $0xFFFFFEF7, lr;
	s5 =	simm.s32 $0xFFFFFFFF;
	p2 =	slt.u32 s8, $0xFFFFF086  }
0x1c: {  	p1 =	slt.u32 s9, $0xF7A;
	s5 =	simm.s32 @!p2 $0x0  }
0x1d: {  	s5 =	simm.s32 @p1 $0x1;
	p0 =	seq.s32 s7, s2  }
0x1e: {  	s7 =	smul.u32 @!p0 $0xF7A, s2;
	p2 =	seq.s32 @!p0 s5, $0x0  }
0x1f: {  	s9 =	smul.u32 $0xF7A, s1;
	s8 =	simm.s32 @!p0 $0x1BF5;
	p2 =	por !p2, p0  }
0x20: {  	[sflag:s8] =	ssyncset.s32 @!p0 $0xFFFFF086;
	s6 =	sadd.s32 @!p0 s3, s7;
	s7 =	simm.s32 @!p0 $0x108  }
0x21: {  	s3 =	sadd.s32 s3, s9;
	s6 =	sadd.s32 @!p0 $0x88, s6;
	s7 =	simm.s32 @p2 $0x1082  }
0x22: {  	[simem:s7], [sflag:s8] =	dma.local @!p0 [hbm:s6], $0xF7A  }
0x23: {  	s9 =	sor.u32 $0xD0000000, s2;
	s6 =	simm.s32 $0x108;
	_ =	swait.ge @!p0 [sflag:s8], $0x0  }
0x24: {  	s3 =	sadd.s32 $0x88, s3;
	s6 =	simm.s32 @!p1 $0x1082;
	[sflag:s4] =	ssyncset.s32 $0xFFFFF086  }
0x25: {  	[simem:s6], [sflag:s4] =	dma.local [hbm:s3], $0xF7A  }
0x26: {  	[smem:$0x3F9F] =	sst s1;
	(tag) =	ssettag s2;
	_ =	strace s9  }
0x27: {  	s1 =	sld [smem:$0x3FAF]  }
0x28: {  	s2 =	sld [smem:$0x3FB0]  }
0x29: {  	s4 =	sld [smem:$0x3FB2]  }
0x2a: {  	p0 =	seq.s32 s5, $0x0;
	s5 =	sld [smem:$0x3FB3]  }
0x2b: {  	s6 =	sld [smem:$0x3FB4]  }
0x2c: {  	s7 =	sld [smem:$0x3FB5]  }
0x2d: {  	s3 =	simm.s32 $0x108;
	s8 =	sld [smem:$0x3FB6]  }
0x2e: {  	s3 =	simm.s32 @!p0 $0x1082;
	s9 =	sld [smem:$0x3FB7]  }
0x2f: {  	lr =	sadd.s32 s0, s3;
	s0 =	sld [smem:$0x3FAE]  }
0x30: {  	s3 =	sld [smem:$0x3FB1]  }
0x31: {  	[smem:$0x3FBA] =	sst s10  }
0x32: {  	s10 =	sld [smem:$0x3FB8];
	_ =	sdelay $0x3  }
0x33: {  	p0 =	seq.s32 s10, $0x1;
	s10 =	sld [smem:$0x3FBA];
	_ =	sdelay $0x3  }
0x34: {  	[smem:$0x3FBA] =	sst s10  }
0x35: {  	s10 =	sld [smem:$0x3FB9];
	_ =	sdelay $0x3  }
0x36: {  	p1 =	seq.s32 s10, $0x1;
	s10 =	sld [smem:$0x3FBA];
	_ =	sdelay $0x3  }
0x37: {  	[smem:$0x3FBA] =	sst s10  }
0x38: {  	s10 =	sld [smem:$0x3FBB]  }
0x39: {  	_ = 	snop;
	(pc) =	sbr.ind lr, $3  }
0x3a: {  	_ = 	snop  }
0x3b: {  	_ = 	snop  }
0x3c: {  	p2 =	seq.s32 s10, $0x1;
	s10 =	sld [smem:$0x3FBA]  }
0x3d: {  	_ =	shalt  }
0x3e: {  	_ =	shalt  }
0x3f: {  	_ =	shalt  }
0x40: {  	_ =	shalt  }
0x41: {  	_ =	shalt  }
0x42: {  	_ =	shalt  }
0x43: {  	_ =	shalt  }
0x44: {  	_ =	shalt  }
0x45: {  	_ =	shalt  }
0x46: {  	_ =	shalt  }
0x47: {  	_ =	shalt  }
0x48: {  	_ =	shalt  }
0x49: {  	_ =	shalt  }
0x4a: {  	_ =	shalt  }
0x4b: {  	_ =	shalt  }
0x4c: {  	_ =	shalt  }
0x4d: {  	_ =	shalt  }
0x4e: {  	_ =	shalt  }
0x4f: {  	_ =	shalt  }
0x50: {  	_ =	shalt  }
0x51: {  	_ =	shalt  }
0x52: {  	_ =	shalt  }
0x53: {  	_ =	shalt  }
0x54: {  	_ =	shalt  }
0x55: {  	_ =	shalt  }
0x56: {  	_ =	shalt  }
0x57: {  	_ =	shalt  }
0x58: {  	_ =	shalt  }
0x59: {  	_ =	shalt  }
0x5a: {  	_ =	shalt  }
0x5b: {  	_ =	shalt  }
0x5c: {  	_ =	shalt  }
0x5d: {  	_ =	shalt  }
0x5e: {  	_ =	shalt  }
0x5f: {  	_ =	shalt  }
0x60: {  	_ =	shalt  }
0x61: {  	_ =	shalt  }
0x62: {  	_ =	shalt  }
0x63: {  	_ =	shalt  }
0x64: {  	_ =	shalt  }
0x65: {  	_ =	shalt  }
0x66: {  	_ =	shalt  }
0x67: {  	_ =	shalt  }
0x68: {  	_ =	shalt  }
0x69: {  	_ =	shalt  }
0x6a: {  	_ =	shalt  }
0x6b: {  	_ =	shalt  }
0x6c: {  	_ =	shalt  }
0x6d: {  	_ =	shalt  }
0x6e: {  	_ =	shalt  }
0x6f: {  	_ =	shalt  }
0x70: {  	_ =	shalt  }
0x71: {  	_ =	shalt  }
0x72: {  	_ =	shalt  }
0x73: {  	_ =	shalt  }
0x74: {  	_ =	shalt  }
0x75: {  	_ =	shalt  }
0x76: {  	_ =	shalt  }
0x77: {  	_ =	shalt  }
0x78: {  	_ =	shalt  }
0x79: {  	_ =	shalt  }
0x7a: {  	_ =	shalt  }
0x7b: {  	_ =	shalt  }
0x7c: {  	_ =	shalt  }
0x7d: {  	_ =	shalt  }
0x7e: {  	_ =	shalt  }
0x7f: {  	_ =	shalt  }
0x80: {  	_ =	shalt  }
0x81: {  	_ =	shalt  }
0x82: {  	_ =	shalt  }
0x83: {  	_ =	shalt  }
0x84: {  	_ =	shalt  }
0x85: {  	_ =	shalt  }
0x86: {  	_ =	shalt  }
0x87: {  	_ =	shalt  }
.Lfunc_end0:
.L_simem_size_0:
called_computation_lowered:
.L_overlay_start_0:
0x88: {  	s2 =	sld [smem:$0x3FD9]  }
0x89: {  	s3 =	sld [smem:$0x3FFE];
	_ =	sdelay $0x1  }
0x8a: {  	s1 =	srdreg.scid  }
0x8b: {  	s0 =	sand.u32 $0x1, s1  }
0x8c: {  	s16 =	sshll.u32 s0, $0xA;
	s2 =	sadd.s32 s3, s2  }
0x8d: {  	s2 =	sadd.s32 s2, s16  }
0x8e: {  	[smem:$0x3FC6] =	sst s2  }
0x8f: {  	_ = 	snop  }
0x90: {  	(tm) =	ssettm $0x1  }
0x91: {  	s17 =	sld [smem:$0x3FFB];
	_ =	sdelay $0x3  }
0x92: {  	_ =	strace s17  }
0x93: {  	s2 =	sld [smem:$0x3FFC];
	_ =	sdelay $0x3  }
0x94: {  	_ =	strace s2  }
0x95: {  	s2 =	sld [smem:$0x3FFD];
	_ =	sdelay $0x3  }
0x96: {  	_ =	strace s2  }
0x97: {  	_ =	strace $0x8FFFFFFF  }
0x98: {  	s18 =	sld [smem:$0x3FDB];
	_ =	sdelay $0x1  }
0x99: {  	s19 =	simm.s32 $_scs_section_size  }
0x9a: {  	s4 =	simm.s32 $_size__tile_overlayer_lowered;
	s5 =	simm.s32 $_tile_overlayer_lowered  }
0x9b: {  	s22 =	simm.s32 $0x1BFF;
	s21 =	sshll.u32 s5, $0x1;
	s2 =	sadd.s32 s19, s18  }
0x9c: {  	s6 =	simm.s32 $0x0;
	s20 =	sshll.u32 s4, $0x1;
	s4 =	sadd.s32 s21, s2  }
0x9d: {  	[timem:s6], [sflag:s22] =	dma.local [hbm:s4], s20  }
0x9e: {  	_ =	swait.ge [sflag:s22], s20  }
0x9f: {  	s3 =	ssub.s32 $0x0, s20;
	[sflag:s22] =	ssyncset.done $0x0  }
0xa0: {  	[sflag:s22] =	ssyncadd.s32 s3;
	_ =	sdelay $0x1  }
0xa1: {  	s23 =	simm.s32 $0x1B8B  }
0xa2: {  	_ =	swait.ge [sflag:s23], $0x1  }
0xa3: {  	[sflag:s23] =	ssyncset.done $0x0  }
0xa4: {  	s25 =	simm.s32 $0x1B8E;
	s24 =	sld [smem:$0x3FFE];
	[sflag:s23] =	ssyncadd.s32 $0xFFFFFFFF  }
0xa5: {  	s26 =	simm.s32 $execute0_lowered;
	[smem:$0x3FD2] =	sst s25  }
0xa6: {  	s4 =	sshll.u32 s26, $0x1;
	_ =	strace $0x80000046;
	[dreg:$0x1] =	wrdreg $0xFFFFFFFF  }
0xa7: {  	s28 =	simm.s32 $_size_execute0_lowered;
	s2 =	sadd.s32 s2, s4;
	[dreg:$0x0] =	wrdreg $0x0  }
0xa8: {  	s4 =	sshll.u32 s28, $0x1;
	[dreg:$0x2] =	wrdreg s2  }
0xa9: {  	[dreg:$0x3] =	wrdreg s4  }
0xaa: {  	[dreg:$0x4] =	wrdreg $0xC0  }
0xab: {  	_ =	task [dreg:s6], $0x5FFFF  }
0xac: {  	[dreg:$0x1] =	wrdreg $0xFFFFFFFF  }
0xad: {  	[dreg:$0x0] =	wrdreg $0x60  }
0xae: {  	[dreg:$0x2] =	wrdreg s24  }
0xaf: {  	[dreg:$0x3] =	wrdreg $0x9  }
0xb0: {  	_ =	task.clear_ibuf [dreg:s6], $0x4FFFF;
	_ =	strace $0x90000046  }
0xb1: {  	s29 =	simm.s32 $0x9;
	_ =	strace $0x80000048  }
0xb2: {  	_ =	swait.ge [sflag:s29], $0x1  }
0xb3: {  	[sflag:s29] =	ssyncadd.s32 $0xFFFFFFFF  }
0xb4: {  	_ =	strace $0x90000048  }
0xb5: {  	_ =	sfence  }
0xb6: {  	s30 =	sld [smem:$0x0];
	_ =	sdelay $0x2  }
0xb7: {  	s31 =	sshll.u32 s1, $0xD;
	s1 =	sshrl.u32 s1, $0x2  }
0xb8: {  	s3 =	sand.u32 $0x4000, s31;
	s1 =	sadd.s32 s1, s30  }
0xb9: {  	s0 =	sor.u32 s3, s0;
	s1 =	sshll.u32 s1, $0x11  }
0xba: {  	s0 =	sor.u32 s1, s0  }
0xbb: {  	s0 =	sadd.s32 $0x8F2B, s0  }
0xbc: {  	[sflag:s0] =	ssyncadd.remote.s32 $0x1  }
0xbd: {  	_ =	sfence.sel $0xFFFF  }
0xbe: {  	[dreg:$0x0] =	wrdreg $0xFFFFFFFF;
	(pc) =	sbr.abs _section_cstart, $3  }
0xbf: {  	[dreg:$0x1] =	wrdreg $0xFFFFFFFF  }
0xc0: {  	_ =	task.clear_ibuf [dreg:s6], $0x2FFFF;
	_ =	strace $0x9FFFFFFF  }
0xc1: {  	(tm) =	ssettm $0x7FFFFFFF  }
tec
execute0_lowered:
.L_overlay_start_1:
0x0: {  	(tag) =	ssettag $0x1  }
0x1: {  	v0 =	vimm.s32 $0x8380;
	vm0 =	vcmask $0x300  }
0x2: {  	vm14 =	vcmask $0x704;
	v0 =	vsel vm0, $0x0, v0  }
0x3: {  	vm15 =	vcmask $0xB08;
	v0 =	vsel vm14, $0x80, v0  }
0x4: {  	vm4 =	vcmask $0xF0C;
	v0 =	vsel vm15, $0x100, v0  }
0x5: {  	vm5 =	vcmask $0x1310;
	v0 =	vsel vm4, $0x180, v0  }
0x6: {  	vm6 =	vcmask $0x1714;
	v0 =	vsel vm5, $0x200, v0  }
0x7: {  	vm7 =	vcmask $0x1B18;
	vm8 =	vcmask $0x1F1C;
	v0 =	vsel vm6, $0x280, v0  }
0x8: {  	vm9 =	vcmask $0x2320;
	v1 =	vlaneseq.u32;
	v0 =	vsel vm7, $0x300, v0  }
0x9: {  	vm10 =	vcmask $0x2724;
	vm11 =	vcmask $0x2B28;
	v0 =	vsel vm8, $0x380, v0  }
0xa: {  	vm12 =	vcmask $0x2F2C;
	vm13 =	vcmask $0x3330;
	v2 =	vsel vm9, $0x8000, v0  }
0xb: {  	vm14 =	vcmask $0x3734;
	v0 =	vmul.u32 $0x80, v1;
	v2 =	vsel vm10, $0x8080, v2  }
0xc: {  	vm15 =	vcmask $0x3B38;
	v1 =	vimm.f32 $0.0e+00;
	v3 =	vsel vm11, $0x8100, v2  }
0xd: {  	v2 =	vor.u32 $0x1, v0;
	v6 =	vor.u32 $0x5, v0;
	v8 =	vor.u32 $0x800, v0  }
0xe: {  	v9 =	vor.u32 $0x801, v0;
	v10 =	vor.u32 $0x802, v0;
	v11 =	vor.u32 $0x803, v0  }
0xf: {  	v12 =	vor.u32 $0x804, v0;
	v13 =	vor.u32 $0x805, v0;
	v14 =	vor.u32 $0x1000, v0  }
0x10: {  	s1 =	srdreg.scid;
	s0 =	stileid.u32;
	s2 =	simm.s32 $0x1;
	v15 =	vor.u32 $0x1001, v0;
	v16 =	vor.u32 $0x1002, v0;
	v17 =	vor.u32 $0x1003, v0  }
0x11: {  	s6 =	rddreg [dreg:$0x0];
	s15 =	simm.s32 $0x4000;
	s16 =	simm.s32 $0x4080;
	v18 =	vor.u32 $0x1004, v0;
	v19 =	vor.u32 $0x1005, v0;
	v20 =	vor.u32 $0x1800, v0  }
0x12: {  	s17 =	simm.s32 $0x0;
	s4 =	sand.u32 $0x1, s1;
	s31 =	sshll.u32 s0, $0x1;
	v21 =	vor.u32 $0x1801, v0;
	v22 =	vor.u32 $0x1802, v0;
	v23 =	vor.u32 $0x1803, v0  }
0x13: {  	s1 =	rddreg [dreg:$0x1];
	s5 =	sor.u32 s4, s31;
	p1 =	seq.s32 s4, $0x1;
	v24 =	vor.u32 $0x1804, v0;
	v25 =	vor.u32 $0x1805, v0;
	v26 =	vor.u32 $0x2000, v0  }
0x14: {  	s7 =	sshll.u32 s4, $0xE;
	s8 =	ssub.s32 $0x2, s4;
	p0 =	seq.s32 s5, $0x0;
	v27 =	vor.u32 $0x2001, v0;
	v28 =	vor.u32 $0x2002, v0;
	v29 =	vor.u32 $0x2003, v0  }
0x15: {  	s4 =	sadd.s32 $0x10E00, s6;
	s5 =	sshll.u32 s5, $0x10;
	p0 =	por !p0, !p1;
	v30 =	vor.u32 $0x2004, v0;
	v31 =	vor.u32 $0x2005, v0;
	v32 =	vor.u32 $0x2800, v0  }
0x16: {  	s9 =	sshrl.u32 s8, $0x1;
	s13 =	sadd.s32 s5, s6;
	p0 =	por !p0, !p0;
	v33 =	vor.u32 $0x2801, v0;
	v34 =	vor.u32 $0x2802, v0;
	v35 =	vor.u32 $0x2803, v0  }
0x17: {  	s14 =	ssub.s32 s8, s9;
	s8 =	sadd.s32 $0x15000, s13;
	s2 =	simm.s32 @!p0 $0x0;
	v36 =	vor.u32 $0x2804, v0;
	v37 =	vor.u32 $0x2805, v0;
	v38 =	vor.u32 $0x3000, v0  }
0x18: {  	s9 =	sadd.s32 $0x17000, s13;
	s10 =	sadd.s32 $0x19000, s13;
	s3 =	ssub.s32 s0, s2;
	v39 =	vor.u32 $0x3001, v0;
	v40 =	vor.u32 $0x3002, v0;
	v41 =	vor.u32 $0x3003, v0  }
0x19: {  	s11 =	sadd.s32 $0x1B000, s13;
	s2 =	simm.s32 $0x0;
	s3 =	sshll.u32 s3, $0xF;
	v42 =	vor.u32 $0x3004, v0;
	v43 =	vor.u32 $0x3005, v0;
	v44 =	vor.u32 $0x3800, v0  }
0x1a: {  	s12 =	sadd.s32 $0x1D000, s13;
	[smem:$0x7FF] =	sst s2;
	s3 =	sor.u32 s7, s3;
	v45 =	vor.u32 $0x3801, v0;
	v46 =	vor.u32 $0x3802, v0;
	v4 =	vsel vm12, $0x8180, v3  }
0x1b: {  	s14 =	smax.u32 s14, $0x1;
	_ =	strace $0x80000047;
	s7 =	sshrl.u32 s3, $0x3;
	v47 =	vor.u32 $0x3803, v0;
	v48 =	vor.u32 $0x3804, v0;
	v5 =	vsel vm13, $0x8200, v4  }
0x1c: {  	s3 =	simm.s32 $0x1;
	s7 =	sadd.s32 s7, s6;
	s6 =	sadd.s32 $0x11000, s13;
	v49 =	vor.u32 $0x3805, v0;
	v3 =	vor.u32 $0x2, v0;
	v7 =	vsel vm14, $0x8280, v5  }
0x1d: {  	s5 =	sadd.s32 $0xE00, s7;
	s7 =	sadd.s32 $0x13000, s13;
	s13 =	sadd.s32 $0x1F000, s13;
	v4 =	vor.u32 $0x3, v0;
	v5 =	vor.u32 $0x4, v0;
	v7 =	vsel vm15, $0x8300, v7  }
.LBB2_1:
0x1e: {  	[tilespmem:s2], [sflag:$0x1] =	stream.linear.gather [hbm4b:s5+s2], $0x4000, $0x38;
	[tilespmem:$0x14080] =	vst v63  }
0x1f: {  	_ =	swait.ge [sflag:s3], $0x4000  }
0x20: {  	[sflag:s3] =	ssyncset.done $0x0  }
0x21: {  	[sflag:s3] =	ssyncadd.s32 $0xFFFFC000  }
0x22: {  	[tilespmem:s15], [sflag:$0x1] =	stream.linear.gather [hbm4b:s4+s2], $0x80, $0x38;
	[tilespmem:$0x14080] =	vst v63  }
0x23: {  	_ =	swait.ge [sflag:s3], $0x80  }
0x24: {  	s18 =	sand.u32 $0x40, s2;
	s19 =	sand.u32 $0x7C00, s2;
	[sflag:s3] =	ssyncset.done $0x0  }
0x25: {  	s21 =	sor.u32 s18, s19;
	[sflag:s3] =	ssyncadd.s32 $0xFFFFFF80  }
0x26: {  	[tilespmem:s21+$0x40B0] =	vst v1  }
0x27: {  	[tilespmem:s21+$0x4080] =	vst v1  }
0x28: {  	s20 =	simm.s32 $0x0;
	s18 =	simm.s32 $0x40;
	[tilespmem:s21+$0x4090] =	vst v1  }
.LBB2_2:
0x29: {  	s19 =	sand.u32 $0x40, s18;
	[tilespmem:s21+$0x40A0] =	vst v1;
	s20 =	sadd.s32 $0x200, s20;
	p0 =	sne.s32 s18, $0xFC0  }
.Ltmp0:
0x2a: {  	s18 =	sadd.s32 $0x40, s18;
	s21 =	sand.u32 $0x7C00, s20;
	(pc) =	sbr.rel @p0 .LBB2_2-.Ltmp0, $4  }
0x2b: {  	s21 =	sor.u32 s19, s21  }
0x2c: {  	s19 =	simm.s32 $0x0;
	[tilespmem:s21+$0x40B0] =	vst v1  }
0x2d: {  	[tilespmem:s21+$0x4080] =	vst v1  }
0x2e: {  	[tilespmem:s21+$0x4090] =	vst v1  }
0x2f: {  	s18 =	sand.u32 $0x40, s19;
	s20 =	sand.u32 $0x7C00, s19  }
0x30: {  	[tilespmem:s21+$0x40A0] =	vst v1;
	s23 =	sor.u32 s18, s20  }
0x31: {  	[tilespmem:s23+$0x4130] =	vst v1  }
0x32: {  	[tilespmem:s23+$0x4100] =	vst v1  }
0x33: {  	s21 =	simm.s32 $0x40;
	s22 =	simm.s32 $0x0;
	[tilespmem:s23+$0x4110] =	vst v1  }
.LBB2_4:
0x34: {  	s24 =	sand.u32 $0x40, s21;
	[tilespmem:s23+$0x4120] =	vst v1;
	s22 =	sadd.s32 $0x200, s22;
	p0 =	sne.s32 s21, $0xFC0  }
.Ltmp1:
0x35: {  	s21 =	sadd.s32 $0x40, s21;
	s23 =	sand.u32 $0x7C00, s22;
	(pc) =	sbr.rel @p0 .LBB2_4-.Ltmp1, $4  }
0x36: {  	s23 =	sor.u32 s24, s23  }
0x37: {  	[tilespmem:s23+$0x4130] =	vst v1  }
0x38: {  	[tilespmem:s23+$0x4100] =	vst v1  }
0x39: {  	[tilespmem:s23+$0x4110] =	vst v1  }
0x3a: {  	[tilespmem:s23+$0x4120] =	vst v1;
	s21 =	sor.u32 s18, s20  }
0x3b: {  	[tilespmem:s21+$0x41B0] =	vst v1  }
0x3c: {  	[tilespmem:s21+$0x4180] =	vst v1  }
0x3d: {  	s20 =	simm.s32 $0x40;
	[tilespmem:s21+$0x4190] =	vst v1  }
.LBB2_6:
0x3e: {  	s18 =	sand.u32 $0x40, s20;
	[tilespmem:s21+$0x41A0] =	vst v1;
	s19 =	sadd.s32 $0x200, s19;
	p0 =	sne.s32 s20, $0xFC0  }
.Ltmp2:
0x3f: {  	s20 =	sadd.s32 $0x40, s20;
	s21 =	sand.u32 $0x7C00, s19;
	(pc) =	sbr.rel @p0 .LBB2_6-.Ltmp2, $4  }
0x40: {  	s21 =	sor.u32 s18, s21  }
0x41: {  	s18 =	simm.s32 $0x0;
	[tilespmem:s21+$0x41B0] =	vst v1  }
0x42: {  	[tilespmem:s21+$0x4180] =	vst v1  }
0x43: {  	[tilespmem:s21+$0x4190] =	vst v1  }
0x44: {  	s19 =	sand.u32 $0x40, s18;
	s20 =	sand.u32 $0x7C00, s18  }
0x45: {  	[tilespmem:s21+$0x41A0] =	vst v1;
	s21 =	sor.u32 s19, s20  }
0x46: {  	[tilespmem:s21+$0x4230] =	vst v1  }
0x47: {  	[tilespmem:s21+$0x4200] =	vst v1  }
0x48: {  	p0 =	por $0x0, $0x0;
	s19 =	simm.s32 $0x40;
	s20 =	simm.s32 $0x0;
	[tilespmem:s21+$0x4210] =	vst v1  }
.LBB2_8:
0x49: {  	s22 =	sand.u32 $0x40, s19;
	[tilespmem:s21+$0x4220] =	vst v1;
	s20 =	sadd.s32 $0x200, s20;
	p1 =	sne.s32 s19, $0xFC0  }
.Ltmp3:
0x4a: {  	s19 =	sadd.s32 $0x40, s19;
	s21 =	sand.u32 $0x7C00, s20;
	(pc) =	sbr.rel @p1 .LBB2_8-.Ltmp3, $4  }
0x4b: {  	s21 =	sor.u32 s22, s21  }
0x4c: {  	[tilespmem:s21+$0x4230] =	vst v1  }
0x4d: {  	[tilespmem:s21+$0x4200] =	vst v1  }
0x4e: {  	[tilespmem:s21+$0x4210] =	vst v1  }
0x4f: {  	s19 =	simm.s32 $0x1  }
0x50: {  	s19 =	simm.s32 @!p0 $0x0  }
0x51: {  	s19 =	sshll.u32 s19, $0x6  }
0x52: {  	s20 =	sadd.s32 $0x0, s19  }
0x53: {  	[tilespmem:s21+$0x4220] =	vst v1;
	s31 =	sor.u32 $0x200, s20  }
0x54: {  	p1 =	por !p0, !p0;
	s21 =	simm.s32 $0x40;
	[tilespmem:s31+$0x4080] =	vst v1  }
.LBB2_10:
0x55: {  	s22 =	simm.s32 $0x1;
	s23 =	sor.u32 $0x210, s20  }
0x56: {  	s18 =	sadd.s32 $0x200, s18;
	p2 =	sne.s32 s21, $0xFC0;
	s22 =	simm.s32 @!p1 $0x0  }
.Ltmp4:
0x57: {  	s22 =	sshll.u32 s22, $0x6;
	[tilespmem:s23+$0x4080] =	vst v1;
	s23 =	sor.u32 $0x220, s20;
	(pc) =	sbr.rel @p2 .LBB2_10-.Ltmp4, $4  }
0x58: {  	[tilespmem:s23+$0x4080] =	vst v1;
	s23 =	sor.u32 $0x230, s20;
	s20 =	sadd.s32 s22, s18  }
0x59: {  	s22 =	sor.u32 $0x200, s20;
	[tilespmem:s23+$0x4080] =	vst v1  }
0x5a: {  	[tilespmem:s22+$0x4080] =	vst v1  }
0x5b: {  	s21 =	sadd.s32 $0x40, s21;
	p1 =	por !p1, !p1  }
0x5c: {  	s18 =	sor.u32 $0x210, s20  }
0x5d: {  	s29 =	sor.u32 $0x220, s20;
	[tilespmem:s18+$0x4080] =	vst v1  }
0x5e: {  	s30 =	sor.u32 $0x230, s20;
	s19 =	sadd.s32 $0x0, s19;
	[tilespmem:s29+$0x4080] =	vst v1  }
0x5f: {  	p0 =	por !p0, !p0;
	s31 =	sor.u32 $0x280, s19;
	[tilespmem:s30+$0x4080] =	vst v1  }
0x60: {  	s20 =	simm.s32 $0x40;
	s21 =	simm.s32 $0x0;
	s18 =	simm.s32 $0x0;
	[tilespmem:s31+$0x4080] =	vst v1  }
.LBB2_12:
0x61: {  	s22 =	simm.s32 $0x1;
	s23 =	sor.u32 $0x290, s19  }
0x62: {  	s21 =	sadd.s32 $0x200, s21;
	p1 =	sne.s32 s20, $0xFC0;
	s22 =	simm.s32 @!p0 $0x0  }
.Ltmp5:
0x63: {  	s22 =	sshll.u32 s22, $0x6;
	[tilespmem:s23+$0x4080] =	vst v1;
	s23 =	sor.u32 $0x2A0, s19;
	(pc) =	sbr.rel @p1 .LBB2_12-.Ltmp5, $4  }
0x64: {  	[tilespmem:s23+$0x4080] =	vst v1;
	s23 =	sor.u32 $0x2B0, s19;
	s19 =	sadd.s32 s22, s21  }
0x65: {  	s22 =	sor.u32 $0x280, s19;
	[tilespmem:s23+$0x4080] =	vst v1  }
0x66: {  	[tilespmem:s22+$0x4080] =	vst v1  }
0x67: {  	s20 =	sadd.s32 $0x40, s20;
	p0 =	por !p0, !p0  }
0x68: {  	p0 =	por $0x0, $0x0;
	s20 =	simm.s32 $0x1  }
0x69: {  	s21 =	sor.u32 $0x290, s19;
	s20 =	simm.s32 @!p0 $0x0  }
0x6a: {  	s29 =	sor.u32 $0x2A0, s19;
	[tilespmem:s21+$0x4080] =	vst v1;
	s20 =	sshll.u32 s20, $0x6  }
0x6b: {  	s30 =	sor.u32 $0x2B0, s19;
	[tilespmem:s29+$0x4080] =	vst v1;
	s19 =	sadd.s32 $0x0, s20  }
0x6c: {  	[tilespmem:s30+$0x4080] =	vst v1;
	s31 =	sor.u32 $0x300, s19  }
0x6d: {  	p1 =	por !p0, !p0;
	s21 =	simm.s32 $0x40;
	[tilespmem:s31+$0x4080] =	vst v1  }
.LBB2_14:
0x6e: {  	s22 =	simm.s32 $0x1;
	s23 =	sor.u32 $0x310, s19  }
0x6f: {  	s18 =	sadd.s32 $0x200, s18;
	p2 =	sne.s32 s21, $0xFC0;
	s22 =	simm.s32 @!p1 $0x0  }
.Ltmp6:
0x70: {  	s22 =	sshll.u32 s22, $0x6;
	[tilespmem:s23+$0x4080] =	vst v1;
	s23 =	sor.u32 $0x320, s19;
	(pc) =	sbr.rel @p2 .LBB2_14-.Ltmp6, $4  }
0x71: {  	[tilespmem:s23+$0x4080] =	vst v1;
	s23 =	sor.u32 $0x330, s19;
	s19 =	sadd.s32 s22, s18  }
0x72: {  	s22 =	sor.u32 $0x300, s19;
	[tilespmem:s23+$0x4080] =	vst v1  }
0x73: {  	[tilespmem:s22+$0x4080] =	vst v1  }
0x74: {  	s21 =	sadd.s32 $0x40, s21;
	p1 =	por !p1, !p1  }
0x75: {  	s18 =	sor.u32 $0x310, s19  }
0x76: {  	s30 =	sor.u32 $0x320, s19;
	[tilespmem:s18+$0x4080] =	vst v1  }
0x77: {  	s31 =	sor.u32 $0x330, s19;
	s19 =	sadd.s32 $0x0, s20;
	[tilespmem:s30+$0x4080] =	vst v1  }
0x78: {  	p0 =	por !p0, !p0;
	s20 =	sor.u32 $0x380, s19;
	[tilespmem:s31+$0x4080] =	vst v1  }
0x79: {  	s21 =	simm.s32 $0x0;
	s18 =	simm.s32 $0x0;
	[tilespmem:s20+$0x4080] =	vst v1;
	s20 =	simm.s32 $0x40  }
.LBB2_16:
0x7a: {  	s22 =	simm.s32 $0x1;
	s23 =	sor.u32 $0x390, s19  }
0x7b: {  	s21 =	sadd.s32 $0x200, s21;
	p1 =	sne.s32 s20, $0xFC0;
	s22 =	simm.s32 @!p0 $0x0  }
.Ltmp7:
0x7c: {  	s22 =	sshll.u32 s22, $0x6;
	[tilespmem:s23+$0x4080] =	vst v1;
	s23 =	sor.u32 $0x3A0, s19;
	(pc) =	sbr.rel @p1 .LBB2_16-.Ltmp7, $4  }
0x7d: {  	[tilespmem:s23+$0x4080] =	vst v1;
	s23 =	sor.u32 $0x3B0, s19;
	s19 =	sadd.s32 s22, s21  }
0x7e: {  	s22 =	sor.u32 $0x380, s19;
	[tilespmem:s23+$0x4080] =	vst v1  }
0x7f: {  	[tilespmem:s22+$0x4080] =	vst v1  }
0x80: {  	s20 =	sadd.s32 $0x40, s20;
	p0 =	por !p0, !p0  }
0x81: {  	s20 =	sor.u32 $0x390, s19  }
0x82: {  	s29 =	sor.u32 $0x3A0, s19;
	[tilespmem:s20+$0x4080] =	vst v1  }
0x83: {  	s30 =	sor.u32 $0x3B0, s19;
	s31 =	sand.u32 $0x40, s18;
	s21 =	sand.u32 $0x7C00, s18;
	[tilespmem:s29+$0x4080] =	vst v1  }
0x84: {  	s21 =	sor.u32 s31, s21;
	[tilespmem:s30+$0x4080] =	vst v1  }
0x85: {  	[tilespmem:s21+$0xC0B0] =	vst v1  }
0x86: {  	[tilespmem:s21+$0xC080] =	vst v1  }
0x87: {  	s20 =	simm.s32 $0x40;
	[tilespmem:s21+$0xC090] =	vst v1  }
.LBB2_18:
0x88: {  	s19 =	sand.u32 $0x40, s20;
	[tilespmem:s21+$0xC0A0] =	vst v1;
	s18 =	sadd.s32 $0x200, s18;
	p0 =	sne.s32 s20, $0xFC0  }
.Ltmp8:
0x89: {  	s20 =	sadd.s32 $0x40, s20;
	s21 =	sand.u32 $0x7C00, s18;
	(pc) =	sbr.rel @p0 .LBB2_18-.Ltmp8, $4  }
0x8a: {  	s21 =	sor.u32 s19, s21  }
0x8b: {  	s19 =	simm.s32 $0x0;
	[tilespmem:s21+$0xC0B0] =	vst v1  }
0x8c: {  	[tilespmem:s21+$0xC080] =	vst v1  }
0x8d: {  	[tilespmem:s21+$0xC090] =	vst v1  }
0x8e: {  	s18 =	sand.u32 $0x40, s19;
	s20 =	sand.u32 $0x7C00, s19  }
0x8f: {  	[tilespmem:s21+$0xC0A0] =	vst v1;
	s23 =	sor.u32 s18, s20  }
0x90: {  	[tilespmem:s23+$0xC130] =	vst v1  }
0x91: {  	[tilespmem:s23+$0xC100] =	vst v1  }
0x92: {  	s21 =	simm.s32 $0x40;
	s22 =	simm.s32 $0x0;
	[tilespmem:s23+$0xC110] =	vst v1  }
.LBB2_20:
0x93: {  	s24 =	sand.u32 $0x40, s21;
	[tilespmem:s23+$0xC120] =	vst v1;
	s22 =	sadd.s32 $0x200, s22;
	p0 =	sne.s32 s21, $0xFC0  }
.Ltmp9:
0x94: {  	s21 =	sadd.s32 $0x40, s21;
	s23 =	sand.u32 $0x7C00, s22;
	(pc) =	sbr.rel @p0 .LBB2_20-.Ltmp9, $4  }
0x95: {  	s23 =	sor.u32 s24, s23  }
0x96: {  	[tilespmem:s23+$0xC130] =	vst v1  }
0x97: {  	[tilespmem:s23+$0xC100] =	vst v1  }
0x98: {  	[tilespmem:s23+$0xC110] =	vst v1  }
0x99: {  	[tilespmem:s23+$0xC120] =	vst v1;
	s21 =	sor.u32 s18, s20  }
0x9a: {  	[tilespmem:s21+$0xC1B0] =	vst v1  }
0x9b: {  	[tilespmem:s21+$0xC180] =	vst v1  }
0x9c: {  	s20 =	simm.s32 $0x40;
	[tilespmem:s21+$0xC190] =	vst v1  }
.LBB2_22:
0x9d: {  	s18 =	sand.u32 $0x40, s20;
	[tilespmem:s21+$0xC1A0] =	vst v1;
	s19 =	sadd.s32 $0x200, s19;
	p0 =	sne.s32 s20, $0xFC0  }
.Ltmp10:
0x9e: {  	s20 =	sadd.s32 $0x40, s20;
	s21 =	sand.u32 $0x7C00, s19;
	(pc) =	sbr.rel @p0 .LBB2_22-.Ltmp10, $4  }
0x9f: {  	s21 =	sor.u32 s18, s21  }
0xa0: {  	s18 =	simm.s32 $0x0;
	[tilespmem:s21+$0xC1B0] =	vst v1  }
0xa1: {  	[tilespmem:s21+$0xC180] =	vst v1  }
0xa2: {  	[tilespmem:s21+$0xC190] =	vst v1  }
0xa3: {  	s19 =	sand.u32 $0x40, s18;
	s20 =	sand.u32 $0x7C00, s18  }
0xa4: {  	[tilespmem:s21+$0xC1A0] =	vst v1;
	s23 =	sor.u32 s19, s20  }
0xa5: {  	[tilespmem:s23+$0xC230] =	vst v1  }
0xa6: {  	[tilespmem:s23+$0xC200] =	vst v1  }
0xa7: {  	s21 =	simm.s32 $0x40;
	s22 =	simm.s32 $0x0;
	[tilespmem:s23+$0xC210] =	vst v1  }
.LBB2_24:
0xa8: {  	s24 =	sand.u32 $0x40, s21;
	[tilespmem:s23+$0xC220] =	vst v1;
	s22 =	sadd.s32 $0x200, s22;
	p0 =	sne.s32 s21, $0xFC0  }
.Ltmp11:
0xa9: {  	s21 =	sadd.s32 $0x40, s21;
	s23 =	sand.u32 $0x7C00, s22;
	(pc) =	sbr.rel @p0 .LBB2_24-.Ltmp11, $4  }
0xaa: {  	s23 =	sor.u32 s24, s23  }
0xab: {  	[tilespmem:s23+$0xC230] =	vst v1  }
0xac: {  	[tilespmem:s23+$0xC200] =	vst v1  }
0xad: {  	[tilespmem:s23+$0xC210] =	vst v1  }
0xae: {  	[tilespmem:s23+$0xC220] =	vst v1;
	s21 =	sor.u32 s19, s20  }
0xaf: {  	[tilespmem:s21+$0xC2B0] =	vst v1  }
0xb0: {  	[tilespmem:s21+$0xC280] =	vst v1  }
0xb1: {  	s20 =	simm.s32 $0x40;
	[tilespmem:s21+$0xC290] =	vst v1  }
.LBB2_26:
0xb2: {  	s19 =	sand.u32 $0x40, s20;
	[tilespmem:s21+$0xC2A0] =	vst v1;
	s18 =	sadd.s32 $0x200, s18;
	p0 =	sne.s32 s20, $0xFC0  }
.Ltmp12:
0xb3: {  	s20 =	sadd.s32 $0x40, s20;
	s21 =	sand.u32 $0x7C00, s18;
	(pc) =	sbr.rel @p0 .LBB2_26-.Ltmp12, $4  }
0xb4: {  	s21 =	sor.u32 s19, s21  }
0xb5: {  	s19 =	simm.s32 $0x0;
	[tilespmem:s21+$0xC2B0] =	vst v1  }
0xb6: {  	[tilespmem:s21+$0xC280] =	vst v1  }
0xb7: {  	[tilespmem:s21+$0xC290] =	vst v1  }
0xb8: {  	s18 =	sand.u32 $0x40, s19;
	s20 =	sand.u32 $0x7C00, s19  }
0xb9: {  	[tilespmem:s21+$0xC2A0] =	vst v1;
	s23 =	sor.u32 s18, s20  }
0xba: {  	[tilespmem:s23+$0xC330] =	vst v1  }
0xbb: {  	[tilespmem:s23+$0xC300] =	vst v1  }
0xbc: {  	s21 =	simm.s32 $0x40;
	s22 =	simm.s32 $0x0;
	[tilespmem:s23+$0xC310] =	vst v1  }
.LBB2_28:
0xbd: {  	s24 =	sand.u32 $0x40, s21;
	[tilespmem:s23+$0xC320] =	vst v1;
	s22 =	sadd.s32 $0x200, s22;
	p0 =	sne.s32 s21, $0xFC0  }
.Ltmp13:
0xbe: {  	s21 =	sadd.s32 $0x40, s21;
	s23 =	sand.u32 $0x7C00, s22;
	(pc) =	sbr.rel @p0 .LBB2_28-.Ltmp13, $4  }
0xbf: {  	s23 =	sor.u32 s24, s23  }
0xc0: {  	[tilespmem:s23+$0xC330] =	vst v1  }
0xc1: {  	[tilespmem:s23+$0xC300] =	vst v1  }
0xc2: {  	[tilespmem:s23+$0xC310] =	vst v1  }
0xc3: {  	[tilespmem:s23+$0xC320] =	vst v1;
	s20 =	sor.u32 s18, s20  }
0xc4: {  	[tilespmem:s20+$0xC3B0] =	vst v1  }
0xc5: {  	[tilespmem:s20+$0xC380] =	vst v1  }
0xc6: {  	s18 =	simm.s32 $0x40;
	[tilespmem:s20+$0xC390] =	vst v1  }
.LBB2_30:
0xc7: {  	s21 =	sand.u32 $0x40, s18;
	[tilespmem:s20+$0xC3A0] =	vst v1;
	s19 =	sadd.s32 $0x200, s19;
	p0 =	sne.s32 s18, $0xFC0  }
.Ltmp14:
0xc8: {  	s18 =	sadd.s32 $0x40, s18;
	s20 =	sand.u32 $0x7C00, s19;
	(pc) =	sbr.rel @p0 .LBB2_30-.Ltmp14, $4  }
0xc9: {  	s20 =	sor.u32 s21, s20  }
0xca: {  	[tilespmem:s20+$0xC3B0] =	vst v1  }
0xcb: {  	[tilespmem:s20+$0xC380] =	vst v1  }
0xcc: {  	[tilespmem:s20+$0xC390] =	vst v1  }
0xcd: {  	s18 =	simm.s32 $0x0  }
0xce: {  	s19 =	sand.u32 $0x40, s18;
	s21 =	sand.u32 $0x7C00, s18  }
0xcf: {  	[tilespmem:s20+$0xC3A0] =	vst v1;
	s20 =	sor.u32 s19, s21  }
0xd0: {  	[tilespmem:s20+$0xC430] =	vst v1  }
0xd1: {  	[tilespmem:s20+$0xC400] =	vst v1  }
0xd2: {  	s19 =	simm.s32 $0x40;
	[tilespmem:s20+$0xC410] =	vst v1  }
.LBB2_32:
0xd3: {  	s21 =	sand.u32 $0x40, s19;
	[tilespmem:s20+$0xC420] =	vst v1;
	s18 =	sadd.s32 $0x200, s18;
	p0 =	sne.s32 s19, $0xFC0  }
.Ltmp15:
0xd4: {  	s19 =	sadd.s32 $0x40, s19;
	s20 =	sand.u32 $0x7C00, s18;
	(pc) =	sbr.rel @p0 .LBB2_32-.Ltmp15, $4  }
0xd5: {  	s20 =	sor.u32 s21, s20  }
0xd6: {  	[tilespmem:s20+$0xC430] =	vst v1  }
0xd7: {  	[tilespmem:s20+$0xC400] =	vst v1  }
0xd8: {  	[tilespmem:s20+$0xC410] =	vst v1  }
0xd9: {  	_ =	sdelay $0x2  }
0xda: {  	[tilespmem:s20+$0xC420] =	vst v1  }
0xdb: {  	v50 =	vld.idx.msk [tilespmem:v2+s2+$0x0], $0xffff;
	_ =	sdelay $0x4  }
0xdc: {  	v51 =	vtrunc.f32 v50  }
0xdd: {  	v51 =	vcvt.f32.s32 v51;
	_ =	sdelay $0x3  }
0xde: {  	v52 =	vld.idx.msk [tilespmem:v0+s2+$0x0], $0xffff  }
0xdf: {  	v53 =	vld.idx.msk [tilespmem:v6+s2+$0x0], $0xffff  }
0xe0: {  	v51 =	vld.idx.msk [tilespmem:v51+s15+$0x0], $0xffff  }
0xe1: {  	v54 =	vld.idx.msk [tilespmem:v5+s2+$0x0], $0xffff;
	_ =	sdelay $0x2  }
0xe2: {  	v52 =	vmul.f32 $6.400000000e+01, v52  }
0xe3: {  	v50 =	vmul.f32 $6.400000000e+01, v50;
	v51 =	vadd.f32 v51, v53  }
0xe4: {  	v52 =	vadd.f32 v54, v52  }
0xe5: {  	v50 =	vadd.f32 v51, v50  }
0xe6: {  	v52 =	vtrunc.f32 v52  }
0xe7: {  	v52 =	vcvt.f32.s32 v52;
	v50 =	vtrunc.f32 v50  }
0xe8: {  	vm0 =	vlt.f32 v54, $6.400000000e+01;
	v50 =	vcvt.f32.s32 v50  }
0xe9: {  	v57 =	vnsel vm0, $0x0, v52;
	vm1 =	vlt.f32 v51, $6.400000000e+01  }
0xea: {  	v52 =	vshll.u32 v57, $0x3;
	v50 =	vnsel vm1, $0x0, v50  }
0xeb: {  	v52 =	vand.u32 $0xFFFFFC00, v52;
	v51 =	vand.u32 $0x7F, v57;
	v58 =	vshll.u32 v50, $0x3  }
0xec: {  	v51 =	vor.u32 v51, v52;
	v50 =	vand.u32 $0x7F, v50;
	v59 =	vand.u32 $0xFFFFFC00, v58  }
0xed: {  	v60 =	vld.idx.msk [tilespmem:v3+s2+$0x0], $0xffff;
	v51 =	vadd.s32 v7, v51;
	v50 =	vor.u32 v50, v59  }
0xee: {  	v61 =	vld.idx.msk [tilespmem:v4+s2+$0x0], $0xffff;
	v50 =	vadd.s32 v7, v50;
	_ =	sdelay $0x3  }
0xef: {  	[tilespmem:v51+s16+$0x0] =	vst.idx.msk vm0, v60  }
0xf0: {  	[tilespmem:v50+s16+$0x0] =	vst.idx.msk vm1, v61  }
0xf1: {  	[hbm4b:s6+s2] =	stream.linear.scatter [tilespmem:s16], [sflag:$0x1], $0x10000, $0x38;
	[tilespmem:$0x14080] =	vst v63  }
0xf2: {  	_ =	swait.ge [sflag:s3], $0x10000  }
0xf3: {  	[sflag:s3] =	ssyncset.done $0x0  }
0xf4: {  	[sflag:s3] =	ssyncadd.s32 $0xFFFF0000  }
0xf5: {  	[tilespmem:v51+s16+$0x0] =	vst.idx.msk vm0, v1  }
0xf6: {  	[tilespmem:v50+s16+$0x0] =	vst.idx.msk vm1, v1  }
0xf7: {  	v50 =	vld.idx.msk [tilespmem:v9+s2+$0x0], $0xffff;
	_ =	sdelay $0x4  }
0xf8: {  	v62 =	vtrunc.f32 v50  }
0xf9: {  	v51 =	vcvt.f32.s32 v62;
	_ =	sdelay $0x3  }
0xfa: {  	v63 =	vld.idx.msk [tilespmem:v8+s2+$0x0], $0xffff  }
0xfb: {  	v57 =	vld.idx.msk [tilespmem:v13+s2+$0x0], $0xffff  }
0xfc: {  	v51 =	vld.idx.msk [tilespmem:v51+s15+$0x0], $0xffff  }
0xfd: {  	v58 =	vld.idx.msk [tilespmem:v12+s2+$0x0], $0xffff;
	_ =	sdelay $0x2  }
0xfe: {  	v52 =	vmul.f32 $6.400000000e+01, v63  }
0xff: {  	v50 =	vmul.f32 $6.400000000e+01, v50;
	v51 =	vadd.f32 v51, v57  }
0x100: {  	v52 =	vadd.f32 v58, v52  }
0x101: {  	v50 =	vadd.f32 v51, v50  }
0x102: {  	v52 =	vtrunc.f32 v52  }
0x103: {  	v52 =	vcvt.f32.s32 v52;
	v50 =	vtrunc.f32 v50  }
0x104: {  	vm14 =	vlt.f32 v58, $6.400000000e+01;
	v50 =	vcvt.f32.s32 v50  }
0x105: {  	v59 =	vnsel vm14, $0x0, v52;
	vm15 =	vlt.f32 v51, $6.400000000e+01  }
0x106: {  	v52 =	vshll.u32 v59, $0x3;
	v50 =	vnsel vm15, $0x0, v50  }
0x107: {  	v52 =	vand.u32 $0xFFFFFC00, v52;
	v51 =	vand.u32 $0x7F, v59;
	v60 =	vshll.u32 v50, $0x3  }
0x108: {  	v51 =	vor.u32 v51, v52;
	v50 =	vand.u32 $0x7F, v50;
	v61 =	vand.u32 $0xFFFFFC00, v60  }
0x109: {  	v62 =	vld.idx.msk [tilespmem:v10+s2+$0x0], $0xffff;
	v51 =	vadd.s32 v7, v51;
	v50 =	vor.u32 v50, v61  }
0x10a: {  	v63 =	vld.idx.msk [tilespmem:v11+s2+$0x0], $0xffff;
	v50 =	vadd.s32 v7, v50;
	_ =	sdelay $0x3  }
0x10b: {  	[tilespmem:v51+s16+$0x0] =	vst.idx.msk vm14, v62  }
0x10c: {  	[tilespmem:v50+s16+$0x0] =	vst.idx.msk vm15, v63  }
0x10d: {  	[hbm4b:s7+s2] =	stream.linear.scatter [tilespmem:s16], [sflag:$0x1], $0x10000, $0x38;
	[tilespmem:$0x14080] =	vst v63  }
0x10e: {  	_ =	swait.ge [sflag:s3], $0x10000  }
0x10f: {  	[sflag:s3] =	ssyncset.done $0x0  }
0x110: {  	[sflag:s3] =	ssyncadd.s32 $0xFFFF0000  }
0x111: {  	[tilespmem:v51+s16+$0x0] =	vst.idx.msk vm14, v1  }
0x112: {  	[tilespmem:v50+s16+$0x0] =	vst.idx.msk vm15, v1  }
0x113: {  	v50 =	vld.idx.msk [tilespmem:v15+s2+$0x0], $0xffff;
	_ =	sdelay $0x4  }
0x114: {  	v56 =	vtrunc.f32 v50  }
0x115: {  	v51 =	vcvt.f32.s32 v56;
	_ =	sdelay $0x3  }
0x116: {  	v57 =	vld.idx.msk [tilespmem:v14+s2+$0x0], $0xffff  }
0x117: {  	v58 =	vld.idx.msk [tilespmem:v19+s2+$0x0], $0xffff  }
0x118: {  	v51 =	vld.idx.msk [tilespmem:v51+s15+$0x0], $0xffff  }
0x119: {  	v59 =	vld.idx.msk [tilespmem:v18+s2+$0x0], $0xffff;
	_ =	sdelay $0x2  }
0x11a: {  	v52 =	vmul.f32 $6.400000000e+01, v57  }
0x11b: {  	v50 =	vmul.f32 $6.400000000e+01, v50;
	v51 =	vadd.f32 v51, v58  }
0x11c: {  	v52 =	vadd.f32 v59, v52  }
0x11d: {  	v50 =	vadd.f32 v51, v50  }
0x11e: {  	v52 =	vtrunc.f32 v52  }
0x11f: {  	v52 =	vcvt.f32.s32 v52;
	v50 =	vtrunc.f32 v50  }
0x120: {  	vm4 =	vlt.f32 v59, $6.400000000e+01;
	v50 =	vcvt.f32.s32 v50  }
0x121: {  	v60 =	vnsel vm4, $0x0, v52;
	vm5 =	vlt.f32 v51, $6.400000000e+01  }
0x122: {  	v52 =	vshll.u32 v60, $0x3;
	v50 =	vnsel vm5, $0x0, v50  }
0x123: {  	v52 =	vand.u32 $0xFFFFFC00, v52;
	v51 =	vand.u32 $0x7F, v60;
	v61 =	vshll.u32 v50, $0x3  }
0x124: {  	v51 =	vor.u32 v51, v52;
	v50 =	vand.u32 $0x7F, v50;
	v62 =	vand.u32 $0xFFFFFC00, v61  }
0x125: {  	v63 =	vld.idx.msk [tilespmem:v16+s2+$0x0], $0xffff;
	v51 =	vadd.s32 v7, v51;
	v50 =	vor.u32 v50, v62  }
0x126: {  	v56 =	vld.idx.msk [tilespmem:v17+s2+$0x0], $0xffff;
	v50 =	vadd.s32 v7, v50;
	_ =	sdelay $0x3  }
0x127: {  	[tilespmem:v51+s16+$0x0] =	vst.idx.msk vm4, v63  }
0x128: {  	[tilespmem:v50+s16+$0x0] =	vst.idx.msk vm5, v56  }
0x129: {  	[hbm4b:s8+s2] =	stream.linear.scatter [tilespmem:s16], [sflag:$0x1], $0x10000, $0x38;
	[tilespmem:$0x14080] =	vst v63  }
0x12a: {  	_ =	swait.ge [sflag:s3], $0x10000  }
0x12b: {  	[sflag:s3] =	ssyncset.done $0x0  }
0x12c: {  	[sflag:s3] =	ssyncadd.s32 $0xFFFF0000  }
0x12d: {  	[tilespmem:v51+s16+$0x0] =	vst.idx.msk vm4, v1  }
0x12e: {  	[tilespmem:v50+s16+$0x0] =	vst.idx.msk vm5, v1  }
0x12f: {  	v50 =	vld.idx.msk [tilespmem:v21+s2+$0x0], $0xffff;
	_ =	sdelay $0x4  }
0x130: {  	v57 =	vtrunc.f32 v50  }
0x131: {  	v51 =	vcvt.f32.s32 v57;
	_ =	sdelay $0x3  }
0x132: {  	v58 =	vld.idx.msk [tilespmem:v20+s2+$0x0], $0xffff  }
0x133: {  	v59 =	vld.idx.msk [tilespmem:v25+s2+$0x0], $0xffff  }
0x134: {  	v51 =	vld.idx.msk [tilespmem:v51+s15+$0x0], $0xffff  }
0x135: {  	v60 =	vld.idx.msk [tilespmem:v24+s2+$0x0], $0xffff;
	_ =	sdelay $0x2  }
0x136: {  	v52 =	vmul.f32 $6.400000000e+01, v58  }
0x137: {  	v50 =	vmul.f32 $6.400000000e+01, v50;
	v51 =	vadd.f32 v51, v59  }
0x138: {  	v52 =	vadd.f32 v60, v52  }
0x139: {  	v50 =	vadd.f32 v51, v50  }
0x13a: {  	v52 =	vtrunc.f32 v52  }
0x13b: {  	v52 =	vcvt.f32.s32 v52;
	v50 =	vtrunc.f32 v50  }
0x13c: {  	vm6 =	vlt.f32 v60, $6.400000000e+01;
	v50 =	vcvt.f32.s32 v50  }
0x13d: {  	v61 =	vnsel vm6, $0x0, v52;
	vm7 =	vlt.f32 v51, $6.400000000e+01  }
0x13e: {  	v52 =	vshll.u32 v61, $0x3;
	v50 =	vnsel vm7, $0x0, v50  }
0x13f: {  	v52 =	vand.u32 $0xFFFFFC00, v52;
	v51 =	vand.u32 $0x7F, v61;
	v62 =	vshll.u32 v50, $0x3  }
0x140: {  	v51 =	vor.u32 v51, v52;
	v50 =	vand.u32 $0x7F, v50;
	v63 =	vand.u32 $0xFFFFFC00, v62  }
0x141: {  	v56 =	vld.idx.msk [tilespmem:v22+s2+$0x0], $0xffff;
	v51 =	vadd.s32 v7, v51;
	v50 =	vor.u32 v50, v63  }
0x142: {  	v57 =	vld.idx.msk [tilespmem:v23+s2+$0x0], $0xffff;
	v50 =	vadd.s32 v7, v50;
	_ =	sdelay $0x3  }
0x143: {  	[tilespmem:v51+s16+$0x0] =	vst.idx.msk vm6, v56  }
0x144: {  	[tilespmem:v50+s16+$0x0] =	vst.idx.msk vm7, v57  }
0x145: {  	[hbm4b:s9+s2] =	stream.linear.scatter [tilespmem:s16], [sflag:$0x1], $0x10000, $0x38;
	[tilespmem:$0x14080] =	vst v63  }
0x146: {  	_ =	swait.ge [sflag:s3], $0x10000  }
0x147: {  	[sflag:s3] =	ssyncset.done $0x0  }
0x148: {  	[sflag:s3] =	ssyncadd.s32 $0xFFFF0000  }
0x149: {  	[tilespmem:v51+s16+$0x0] =	vst.idx.msk vm6, v1  }
0x14a: {  	[tilespmem:v50+s16+$0x0] =	vst.idx.msk vm7, v1  }
0x14b: {  	v50 =	vld.idx.msk [tilespmem:v27+s2+$0x0], $0xffff;
	_ =	sdelay $0x4  }
0x14c: {  	v58 =	vtrunc.f32 v50  }
0x14d: {  	v51 =	vcvt.f32.s32 v58;
	_ =	sdelay $0x3  }
0x14e: {  	v59 =	vld.idx.msk [tilespmem:v26+s2+$0x0], $0xffff  }
0x14f: {  	v60 =	vld.idx.msk [tilespmem:v31+s2+$0x0], $0xffff  }
0x150: {  	v51 =	vld.idx.msk [tilespmem:v51+s15+$0x0], $0xffff  }
0x151: {  	v61 =	vld.idx.msk [tilespmem:v30+s2+$0x0], $0xffff;
	_ =	sdelay $0x2  }
0x152: {  	v52 =	vmul.f32 $6.400000000e+01, v59  }
0x153: {  	v50 =	vmul.f32 $6.400000000e+01, v50;
	v51 =	vadd.f32 v51, v60  }
0x154: {  	v52 =	vadd.f32 v61, v52  }
0x155: {  	v50 =	vadd.f32 v51, v50  }
0x156: {  	v52 =	vtrunc.f32 v52  }
0x157: {  	v52 =	vcvt.f32.s32 v52;
	v50 =	vtrunc.f32 v50  }
0x158: {  	vm8 =	vlt.f32 v61, $6.400000000e+01;
	v50 =	vcvt.f32.s32 v50  }
0x159: {  	v62 =	vnsel vm8, $0x0, v52;
	vm9 =	vlt.f32 v51, $6.400000000e+01  }
0x15a: {  	v52 =	vshll.u32 v62, $0x3;
	v50 =	vnsel vm9, $0x0, v50  }
0x15b: {  	v52 =	vand.u32 $0xFFFFFC00, v52;
	v51 =	vand.u32 $0x7F, v62;
	v63 =	vshll.u32 v50, $0x3  }
0x15c: {  	v51 =	vor.u32 v51, v52;
	v50 =	vand.u32 $0x7F, v50;
	v56 =	vand.u32 $0xFFFFFC00, v63  }
0x15d: {  	v57 =	vld.idx.msk [tilespmem:v28+s2+$0x0], $0xffff;
	v51 =	vadd.s32 v7, v51;
	v50 =	vor.u32 v50, v56  }
0x15e: {  	v58 =	vld.idx.msk [tilespmem:v29+s2+$0x0], $0xffff;
	v50 =	vadd.s32 v7, v50;
	_ =	sdelay $0x3  }
0x15f: {  	[tilespmem:v51+s16+$0x0] =	vst.idx.msk vm8, v57  }
0x160: {  	[tilespmem:v50+s16+$0x0] =	vst.idx.msk vm9, v58  }
0x161: {  	[hbm4b:s10+s2] =	stream.linear.scatter [tilespmem:s16], [sflag:$0x1], $0x10000, $0x38;
	[tilespmem:$0x14080] =	vst v63  }
0x162: {  	_ =	swait.ge [sflag:s3], $0x10000  }
0x163: {  	[sflag:s3] =	ssyncset.done $0x0  }
0x164: {  	[sflag:s3] =	ssyncadd.s32 $0xFFFF0000  }
0x165: {  	[tilespmem:v51+s16+$0x0] =	vst.idx.msk vm8, v1  }
0x166: {  	[tilespmem:v50+s16+$0x0] =	vst.idx.msk vm9, v1  }
0x167: {  	v50 =	vld.idx.msk [tilespmem:v33+s2+$0x0], $0xffff;
	_ =	sdelay $0x4  }
0x168: {  	v59 =	vtrunc.f32 v50  }
0x169: {  	v51 =	vcvt.f32.s32 v59;
	_ =	sdelay $0x3  }
0x16a: {  	v60 =	vld.idx.msk [tilespmem:v32+s2+$0x0], $0xffff  }
0x16b: {  	v61 =	vld.idx.msk [tilespmem:v37+s2+$0x0], $0xffff  }
0x16c: {  	v51 =	vld.idx.msk [tilespmem:v51+s15+$0x0], $0xffff  }
0x16d: {  	v62 =	vld.idx.msk [tilespmem:v36+s2+$0x0], $0xffff;
	_ =	sdelay $0x2  }
0x16e: {  	v52 =	vmul.f32 $6.400000000e+01, v60  }
0x16f: {  	v50 =	vmul.f32 $6.400000000e+01, v50;
	v51 =	vadd.f32 v51, v61  }
0x170: {  	v52 =	vadd.f32 v62, v52  }
0x171: {  	v50 =	vadd.f32 v51, v50  }
0x172: {  	v52 =	vtrunc.f32 v52  }
0x173: {  	v52 =	vcvt.f32.s32 v52;
	v50 =	vtrunc.f32 v50  }
0x174: {  	vm10 =	vlt.f32 v62, $6.400000000e+01;
	v50 =	vcvt.f32.s32 v50  }
0x175: {  	v63 =	vnsel vm10, $0x0, v52;
	vm11 =	vlt.f32 v51, $6.400000000e+01  }
0x176: {  	v52 =	vshll.u32 v63, $0x3;
	v50 =	vnsel vm11, $0x0, v50  }
0x177: {  	v52 =	vand.u32 $0xFFFFFC00, v52;
	v51 =	vand.u32 $0x7F, v63;
	v56 =	vshll.u32 v50, $0x3  }
0x178: {  	v51 =	vor.u32 v51, v52;
	v50 =	vand.u32 $0x7F, v50;
	v57 =	vand.u32 $0xFFFFFC00, v56  }
0x179: {  	v58 =	vld.idx.msk [tilespmem:v34+s2+$0x0], $0xffff;
	v51 =	vadd.s32 v7, v51;
	v50 =	vor.u32 v50, v57  }
0x17a: {  	v59 =	vld.idx.msk [tilespmem:v35+s2+$0x0], $0xffff;
	v50 =	vadd.s32 v7, v50;
	_ =	sdelay $0x3  }
0x17b: {  	[tilespmem:v51+s16+$0x0] =	vst.idx.msk vm10, v58  }
0x17c: {  	[tilespmem:v50+s16+$0x0] =	vst.idx.msk vm11, v59  }
0x17d: {  	[hbm4b:s11+s2] =	stream.linear.scatter [tilespmem:s16], [sflag:$0x1], $0x10000, $0x38;
	[tilespmem:$0x14080] =	vst v63  }
0x17e: {  	_ =	swait.ge [sflag:s3], $0x10000  }
0x17f: {  	[sflag:s3] =	ssyncset.done $0x0  }
0x180: {  	[sflag:s3] =	ssyncadd.s32 $0xFFFF0000  }
0x181: {  	[tilespmem:v51+s16+$0x0] =	vst.idx.msk vm10, v1  }
0x182: {  	[tilespmem:v50+s16+$0x0] =	vst.idx.msk vm11, v1  }
0x183: {  	v50 =	vld.idx.msk [tilespmem:v39+s2+$0x0], $0xffff;
	_ =	sdelay $0x4  }
0x184: {  	v60 =	vtrunc.f32 v50  }
0x185: {  	v51 =	vcvt.f32.s32 v60;
	_ =	sdelay $0x3  }
0x186: {  	v61 =	vld.idx.msk [tilespmem:v38+s2+$0x0], $0xffff  }
0x187: {  	v62 =	vld.idx.msk [tilespmem:v43+s2+$0x0], $0xffff  }
0x188: {  	v51 =	vld.idx.msk [tilespmem:v51+s15+$0x0], $0xffff  }
0x189: {  	v63 =	vld.idx.msk [tilespmem:v42+s2+$0x0], $0xffff;
	_ =	sdelay $0x2  }
0x18a: {  	v52 =	vmul.f32 $6.400000000e+01, v61  }
0x18b: {  	v50 =	vmul.f32 $6.400000000e+01, v50;
	v51 =	vadd.f32 v51, v62  }
0x18c: {  	v52 =	vadd.f32 v63, v52  }
0x18d: {  	v50 =	vadd.f32 v51, v50  }
0x18e: {  	v52 =	vtrunc.f32 v52  }
0x18f: {  	v52 =	vcvt.f32.s32 v52;
	v50 =	vtrunc.f32 v50  }
0x190: {  	vm12 =	vlt.f32 v63, $6.400000000e+01;
	v50 =	vcvt.f32.s32 v50  }
0x191: {  	v57 =	vnsel vm12, $0x0, v52;
	vm13 =	vlt.f32 v51, $6.400000000e+01  }
0x192: {  	v52 =	vshll.u32 v57, $0x3;
	v50 =	vnsel vm13, $0x0, v50  }
0x193: {  	v52 =	vand.u32 $0xFFFFFC00, v52;
	v51 =	vand.u32 $0x7F, v57;
	v58 =	vshll.u32 v50, $0x3  }
0x194: {  	v51 =	vor.u32 v51, v52;
	v50 =	vand.u32 $0x7F, v50;
	v59 =	vand.u32 $0xFFFFFC00, v58  }
0x195: {  	v60 =	vld.idx.msk [tilespmem:v40+s2+$0x0], $0xffff;
	v51 =	vadd.s32 v7, v51;
	v50 =	vor.u32 v50, v59  }
0x196: {  	v61 =	vld.idx.msk [tilespmem:v41+s2+$0x0], $0xffff;
	v50 =	vadd.s32 v7, v50;
	_ =	sdelay $0x3  }
0x197: {  	[tilespmem:v51+s16+$0x0] =	vst.idx.msk vm12, v60  }
0x198: {  	[tilespmem:v50+s16+$0x0] =	vst.idx.msk vm13, v61  }
0x199: {  	[hbm4b:s12+s2] =	stream.linear.scatter [tilespmem:s16], [sflag:$0x1], $0x10000, $0x38;
	[tilespmem:$0x14080] =	vst v63  }
0x19a: {  	_ =	swait.ge [sflag:s3], $0x10000  }
0x19b: {  	[sflag:s3] =	ssyncset.done $0x0  }
0x19c: {  	[sflag:s3] =	ssyncadd.s32 $0xFFFF0000  }
0x19d: {  	[tilespmem:v51+s16+$0x0] =	vst.idx.msk vm12, v1  }
0x19e: {  	[tilespmem:v50+s16+$0x0] =	vst.idx.msk vm13, v1  }
0x19f: {  	v50 =	vld.idx.msk [tilespmem:v45+s2+$0x0], $0xffff;
	_ =	sdelay $0x4  }
0x1a0: {  	v62 =	vtrunc.f32 v50  }
0x1a1: {  	v51 =	vcvt.f32.s32 v62;
	_ =	sdelay $0x3  }
0x1a2: {  	v63 =	vld.idx.msk [tilespmem:v44+s2+$0x0], $0xffff  }
0x1a3: {  	v57 =	vld.idx.msk [tilespmem:v49+s2+$0x0], $0xffff  }
0x1a4: {  	v51 =	vld.idx.msk [tilespmem:v51+s15+$0x0], $0xffff  }
0x1a5: {  	v58 =	vld.idx.msk [tilespmem:v48+s2+$0x0], $0xffff;
	_ =	sdelay $0x2  }
0x1a6: {  	v52 =	vmul.f32 $6.400000000e+01, v63  }
0x1a7: {  	v50 =	vmul.f32 $6.400000000e+01, v50;
	v51 =	vadd.f32 v51, v57  }
0x1a8: {  	v52 =	vadd.f32 v58, v52  }
0x1a9: {  	v50 =	vadd.f32 v51, v50  }
0x1aa: {  	v52 =	vtrunc.f32 v52  }
0x1ab: {  	v52 =	vcvt.f32.s32 v52;
	v50 =	vtrunc.f32 v50  }
0x1ac: {  	vm14 =	vlt.f32 v58, $6.400000000e+01;
	v50 =	vcvt.f32.s32 v50  }
0x1ad: {  	v59 =	vnsel vm14, $0x0, v52;
	vm15 =	vlt.f32 v51, $6.400000000e+01  }
0x1ae: {  	v52 =	vshll.u32 v59, $0x3;
	v50 =	vnsel vm15, $0x0, v50  }
0x1af: {  	v52 =	vand.u32 $0xFFFFFC00, v52;
	v51 =	vand.u32 $0x7F, v59;
	v60 =	vshll.u32 v50, $0x3  }
0x1b0: {  	v51 =	vor.u32 v51, v52;
	v50 =	vand.u32 $0x7F, v50;
	v61 =	vand.u32 $0xFFFFFC00, v60  }
0x1b1: {  	v62 =	vld.idx.msk [tilespmem:v46+s2+$0x0], $0xffff;
	v51 =	vadd.s32 v7, v51;
	v50 =	vor.u32 v50, v61  }
0x1b2: {  	v63 =	vld.idx.msk [tilespmem:v47+s2+$0x0], $0xffff;
	v50 =	vadd.s32 v7, v50;
	_ =	sdelay $0x3  }
0x1b3: {  	s17 =	sadd.s32 $0x1, s17;
	[tilespmem:v51+s16+$0x0] =	vst.idx.msk vm14, v62  }
0x1b4: {  	p0 =	sne.s32 s17, s14;
	[tilespmem:v50+s16+$0x0] =	vst.idx.msk vm15, v63  }
0x1b5: {  	[hbm4b:s13+s2] =	stream.linear.scatter [tilespmem:s16], [sflag:$0x1], $0x10000, $0x38;
	[tilespmem:$0x14080] =	vst v63  }
.Ltmp16:
0x1b6: {  	_ =	swait.ge [sflag:s3], $0x10000;
	(pc) =	sbr.rel @p0 .LBB2_1-.Ltmp16, $4  }
0x1b7: {  	[sflag:s3] =	ssyncset.done $0x0  }
0x1b8: {  	[sflag:s3] =	ssyncadd.s32 $0xFFFF0000  }
0x1b9: {  	[tilespmem:v51+s16+$0x0] =	vst.idx.msk vm14, v1  }
0x1ba: {  	[tilespmem:v50+s16+$0x0] =	vst.idx.msk vm15, v1  }
0x1bb: {  	_ =	sfence.sel $0x180000  }
0x1bc: {  	[bflag:$0x0] =	sbarrier.arrive $0xFFFF  }
0x1bd: {  	p0 =	sne.s32 s0, $0x0;
	_ =	strace $0x90000047  }
0x1be: {  	s0 =	sadd.s32 @!p0 $0x100000, s1;
	[bflag:$0x2] =	sbarrier.arrive $0xFFFF  }
0x1bf: {  	[sflag:s0] =	ssyncadd.tile.s32 @!p0 $0x1;
	_ =	shalt  }
.Lfunc_end2:
_tile_overlayer_lowered:
.L_overlay_start_2:
0x1c0: {  	(tag) =	ssettag $0x2  }
0x1c1: {  	s0 =	rddreg [dreg:$0x0];
	s2 =	stileid.u32  }
0x1c2: {  	s1 =	rddreg [dreg:$0x1];
	p0 =	sne.s32 s2, $0x0  }
0x1c3: {  	s3 =	rddreg [dreg:$0x2];
	[bflag:$0x3] =	sbarrier.arrive $0xFFFF;
	s2 =	simm.s32 @!p0 $0x1C01  }
0x1c4: {  	[timem:s3], [sflag:s2] =	dma.local @!p0 [hbm:s0], s1  }
0x1c5: {  	s0 =	simm.s32 @!p0 $0x1  }
0x1c6: {  	_ =	swait.ge @!p0 [sflag:s0], s1  }
0x1c7: {  	s1 =	ssub.s32 @!p0 $0x0, s1;
	[sflag:s0] =	ssyncset.done @!p0 $0x0  }
0x1c8: {  	[sflag:s0] =	ssyncadd.s32 @!p0 s1  }
0x1c9: {  	[bflag:$0x3] =	sbarrier.arrive $0xFFFF  }
0x1ca: {  	_ =	shalt  }

</sc_bundles>
